<compile_context>
chip_gen: v7x
topology: tpu7x:2x2x1
jax: 0.10.2.dev20260603
libtpu: 0.0.44.dev20260713+nightly
codegen_flags: <defaults>
</compile_context>

<pallas_src>
import jax
import jax.numpy as jnp
from jax import lax
from jax.experimental import pallas as pl
from jax.experimental.pallas import tpu as pltpu
from jax.experimental.pallas import tpu_sc as plsc

_NUM_CORES = 2
_NUM_SUBCORES = 16
_NUM_WORKERS = _NUM_CORES * _NUM_SUBCORES


def kernel(token_ids, embed_weight):
    batch, seq = token_ids.shape
    vocab, embed_dim = embed_weight.shape
    num_indices = batch * seq

    b_per_w = num_indices // _NUM_WORKERS
    window = 128
    nbuf = 4
    nslot = 2
    steps = b_per_w // window
    assert b_per_w % window == 0 and steps % nbuf == 0 and steps >= 3 * nbuf

    indices = token_ids.reshape(num_indices).astype(jnp.int32)

    mesh = plsc.VectorSubcoreMesh(
        core_axis_name="core", subcore_axis_name="subcore"
    )

    @pl.kernel(
        out_type=jax.ShapeDtypeStruct((num_indices, embed_dim),
                                      embed_weight.dtype),
        mesh=mesh,
        scratch_types=[
            pltpu.VMEM((b_per_w,), jnp.int32),
            pltpu.VMEM((nbuf, window, embed_dim), jnp.float32),
            pltpu.VMEM_SHARED((_NUM_SUBCORES, nslot, window, embed_dim),
                              jnp.float32),
            pltpu.SemaphoreType.DMA((nbuf,)),
            pltpu.SemaphoreType.DMA((nslot,)),
            pltpu.SemaphoreType.DMA((nslot,)),
            pltpu.SemaphoreType.DMA((nslot,)),
        ],
    )
    def sc_gather(table_hbm, idx_hbm, out_hbm, idx_v, rows_v, stage_v,
                  gsem, csem, hsem, wsem):
        wid = lax.axis_index("core") * _NUM_SUBCORES + lax.axis_index(
            "subcore")
        sid = lax.axis_index("subcore")
        base = wid * b_per_w
        pltpu.sync_copy(idx_hbm.at[pl.ds(base, b_per_w)], idx_v)

        def start_g(s, b):
            pltpu.async_copy(
                table_hbm.at[idx_v.at[pl.ds(s * window, window)]],
                rows_v.at[b], gsem.at[b])

        def wait_g(b):
            pltpu.make_async_copy(
                table_hbm.at[pl.ds(0, window)], rows_v.at[b],
                gsem.at[b]).wait()

        def start_c(b, p):
            pltpu.async_copy(rows_v.at[b], stage_v.at[sid, p], csem.at[p])

        def wait_c(p):
            pltpu.make_async_copy(rows_v.at[0], stage_v.at[sid, p],
                                  csem.at[p]).wait()

        def start_h(s, p):
            pltpu.async_copy(
                stage_v.at[sid, p],
                out_hbm.at[pl.ds(base + s * window, window)], hsem.at[p])

        def wait_h(p):
            pltpu.make_async_copy(
                stage_v.at[sid, p], out_hbm.at[pl.ds(0, window)],
                hsem.at[p]).wait()

        def start_w(s, b, j):
            pltpu.async_copy(
                rows_v.at[b],
                out_hbm.at[pl.ds(base + s * window, window)], wsem.at[j])

        def wait_w(j):
            pltpu.make_async_copy(
                rows_v.at[0], out_hbm.at[pl.ds(0, window)],
                wsem.at[j]).wait()

        start_g(0, 0)
        start_g(1, 1)
        start_g(2, 2)
        wait_g(0)
        start_c(0, 0)
        start_g(3, 3)
        wait_g(1)
        start_w(1, 1, 0)
        wait_c(0)
        start_h(0, 0)

        start_g(4, 0)
        wait_g(2)
        start_c(2, 1)
        wait_w(0)
        start_g(5, 1)
        wait_g(3)
        start_w(3, 3, 1)
        wait_c(1)
        start_h(2, 1)
        start_g(6, 2)
        wait_g(0)
        wait_h(0)
        start_c(0, 0)
        wait_w(1)
        start_g(7, 3)
        wait_g(1)
        start_w(5, 1, 0)
        wait_c(0)
        start_h(4, 0)

        @pl.loop(8, steps, step=nbuf)
        def _(g):
            start_g(g, 0)
            wait_g(2)
            wait_h(1)
            start_c(2, 1)
            wait_w(0)
            start_g(g + 1, 1)
            wait_g(3)
            start_w(g - 1, 3, 1)
            wait_c(1)
            start_h(g - 2, 1)
            start_g(g + 2, 2)
            wait_g(0)
            wait_h(0)
            start_c(0, 0)
            wait_w(1)
            start_g(g + 3, 3)
            wait_g(1)
            start_w(g + 1, 1, 0)
            wait_c(0)
            start_h(g, 0)

        wait_g(2)
        wait_h(1)
        start_c(2, 1)
        wait_g(3)
        start_w(steps - 1, 3, 1)
        wait_c(1)
        start_h(steps - 2, 1)

        wait_w(0)
        wait_w(1)
        wait_h(0)
        wait_h(1)

    out = sc_gather(embed_weight, indices)
    return out.reshape(batch, seq, embed_dim)

# --- scband reference (transcript-rebuilt; emitter-appended) ---
"""Pipeline reference for scband-token-embedding-2370821947843 (READ-ONLY COPY).

The authoritative reference and input builder live on the scoring server;
editing this copy changes nothing except your own understanding.
"""

import jax, jax.numpy as jnp
import numpy as np

VOCAB_SIZE = 100000
EMBED_DIM = 128
BATCH = 4096
SEQ = 200

def setup_inputs(seed: int = 0) -> dict:
    key = jax.random.key(seed)
    k_idx, k_tab = jax.random.split(key)
    token_ids = jax.random.randint(k_idx, (BATCH, SEQ), 0, VOCAB_SIZE, dtype=jnp.int64 if jax.config.jax_enable_x64 else jnp.int32)
    # nn.Embedding default init: N(0, 1)
    embed_weight = jax.random.normal(k_tab, (VOCAB_SIZE, EMBED_DIM), dtype=jnp.float32)
    return {"token_ids": token_ids, "embed_weight": embed_weight}

def reference(token_ids, embed_weight):
    # Faithful translation of nn.Embedding lookup: out[b, s, :] = W[token_ids[b, s], :]
    return jnp.take(embed_weight, token_ids, axis=0)

if __name__ == "__main__":
    import jax
    _d = setup_inputs()
    print(jax.jit(kernel)(*tuple(_d.values())))

</pallas_src>

<mosaic_0001>
#map = affine_map<(d0, d1) -> (0, 0)>
#map1 = affine_map<(d0, d1) -> (0)>
module attributes {stable_mosaic.version = 14 : i64} {
  func.func @sc_gather(%arg0: i32, %arg1: i32, %arg2: memref<100000x128xf32, #tpu.memory_space<hbm>>, %arg3: memref<819200xi32, #tpu.memory_space<hbm>>, %arg4: memref<819200x128xf32, #tpu.memory_space<hbm>>, %arg5: memref<25600xi32, #tpu.memory_space<vmem>>, %arg6: memref<4x128x128xf32, #tpu.memory_space<vmem>>, %arg7: memref<16x2x128x128xf32, #tpu.memory_space<vmem_shared>>, %arg8: memref<4x!tpu.dma_semaphore, #tpu.memory_space<semaphore_mem>>, %arg9: memref<2x!tpu.dma_semaphore, #tpu.memory_space<semaphore_mem>>, %arg10: memref<2x!tpu.dma_semaphore, #tpu.memory_space<semaphore_mem>>, %arg11: memref<2x!tpu.dma_semaphore, #tpu.memory_space<semaphore_mem>>) attributes {dimension_semantics = [#tpu.dimension_semantics<core_parallel>, #tpu.dimension_semantics<subcore_parallel>], iteration_bounds = array<i64: 2, 16>, scalar_prefetch = 0 : i64, scratch_operands = 7 : i64, tpu.core_type = #tpu.core_type<sc_vector_subcore>, window_params = [{transform_indices = #map}, {transform_indices = #map1}, {transform_indices = #map}]} {
    %mul3A = arith.constant 16 : i32
    %mul3A_0 = arith.muli %arg0, %mul3A : i32
    %add3A = arith.addi %mul3A_0, %arg1 : i32
    %mul3A_1 = arith.constant 25600 : i32
    %mul3A_2 = arith.muli %add3A, %mul3A_1 : i32
    "tpu.region"() ({
      %run_scoped3A = tpu.sem_alloc : memref<!tpu.dma_semaphore, #tpu.memory_space<semaphore_mem>>
      %dma_start3A_657 = tpu.memref_slice %arg3[%mul3A_2] : memref<819200xi32, #tpu.memory_space<hbm>> -> memref<25600xi32, #tpu.memory_space<hbm>>
      %dma_start3A_658 = tpu.memref_slice %arg3[%mul3A_2] : memref<819200xi32, #tpu.memory_space<hbm>> -> memref<25600xi32, #tpu.memory_space<hbm>>
      tpu.enqueue_dma source(%dma_start3A_658 : memref<25600xi32, #tpu.memory_space<hbm>>) target(%arg5 : memref<25600xi32, #tpu.memory_space<vmem>>) target_semaphore(%run_scoped3A : memref<!tpu.dma_semaphore, #tpu.memory_space<semaphore_mem>>)
      %dma_wait3A_659 = tpu.memref_slice %arg3[%mul3A_2] : memref<819200xi32, #tpu.memory_space<hbm>> -> memref<25600xi32, #tpu.memory_space<hbm>>
      %dma_wait3A_660 = tpu.memref_slice %arg3[%mul3A_2] : memref<819200xi32, #tpu.memory_space<hbm>> -> memref<25600xi32, #tpu.memory_space<hbm>>
      tpu.wait_dma2 semaphore(%run_scoped3A : memref<!tpu.dma_semaphore, #tpu.memory_space<semaphore_mem>>) src(%dma_wait3A_660 : memref<25600xi32, #tpu.memory_space<hbm>>) dst(%arg5 : memref<25600xi32, #tpu.memory_space<vmem>>)
      tpu.yield
    }) : () -> ()
    %dma_start3A = arith.constant 0 : i32
    %dma_start3A_3 = arith.constant 0 : i32
    %dma_start3A_4 = arith.constant 0 : i32
    %dma_start3A_5 = arith.constant 0 : i32
    %dma_start3A_6 = tpu.memref_slice %arg6[%dma_start3A, %dma_start3A_4, %dma_start3A_5] : memref<4x128x128xf32, #tpu.memory_space<vmem>> -> memref<1x128x128xf32, #tpu.memory_space<vmem>>
    %dma_start3A_7 = tpu.memref_squeeze %dma_start3A_6 : memref<1x128x128xf32, #tpu.memory_space<vmem>> -> memref<128x128xf32, #tpu.memory_space<vmem>>
    %dma_start3A_8 = arith.constant 0 : i32
    %dma_start3A_9 = tpu.memref_slice %arg5[%dma_start3A_8] : memref<25600xi32, #tpu.memory_space<vmem>> -> memref<128xi32, #tpu.memory_space<vmem>>
    %dma_start3A_10 = arith.constant 0 : i32
    %dma_start3A_11 = arith.constant 0 : i32
    %dma_start3A_12 = tpu.memref_slice %arg2[%dma_start3A_10, %dma_start3A_11] : memref<100000x128xf32, #tpu.memory_space<hbm>> -> memref<100000x128xf32, #tpu.memory_space<hbm>>
    %dma_start3A_13 = tpu.memref_slice %arg8[%dma_start3A_3] : memref<4x!tpu.dma_semaphore, #tpu.memory_space<semaphore_mem>> -> memref<1x!tpu.dma_semaphore, #tpu.memory_space<semaphore_mem>>
    %dma_start3A_14 = tpu.memref_squeeze %dma_start3A_13 : memref<1x!tpu.dma_semaphore, #tpu.memory_space<semaphore_mem>> -> memref<!tpu.dma_semaphore, #tpu.memory_space<semaphore_mem>>
    tpu.enqueue_indirect_dma source(%dma_start3A_12 : memref<100000x128xf32, #tpu.memory_space<hbm>>) target(%dma_start3A_7 : memref<128x128xf32, #tpu.memory_space<vmem>>) offsets(%dma_start3A_9 : memref<128xi32, #tpu.memory_space<vmem>>) semaphore(%dma_start3A_14 : memref<!tpu.dma_semaphore, #tpu.memory_space<semaphore_mem>>)
    %dma_start3A_15 = arith.constant 1 : i32
    %dma_start3A_16 = arith.constant 1 : i32
    %dma_start3A_17 = arith.constant 0 : i32
    %dma_start3A_18 = arith.constant 0 : i32
    %dma_start3A_19 = tpu.memref_slice %arg6[%dma_start3A_15, %dma_start3A_17, %dma_start3A_18] : memref<4x128x128xf32, #tpu.memory_space<vmem>> -> memref<1x128x128xf32, #tpu.memory_space<vmem>>
    %dma_start3A_20 = tpu.memref_squeeze %dma_start3A_19 : memref<1x128x128xf32, #tpu.memory_space<vmem>> -> memref<128x128xf32, #tpu.memory_space<vmem>>
    %dma_start3A_21 = arith.constant 128 : i32
    %dma_start3A_22 = tpu.memref_slice %arg5[%dma_start3A_21] : memref<25600xi32, #tpu.memory_space<vmem>> -> memref<128xi32, #tpu.memory_space<vmem>>
    %dma_start3A_23 = arith.constant 0 : i32
    %dma_start3A_24 = arith.constant 0 : i32
    %dma_start3A_25 = tpu.memref_slice %arg2[%dma_start3A_23, %dma_start3A_24] : memref<100000x128xf32, #tpu.memory_space<hbm>> -> memref<100000x128xf32, #tpu.memory_space<hbm>>
    %dma_start3A_26 = tpu.memref_slice %arg8[%dma_start3A_16] : memref<4x!tpu.dma_semaphore, #tpu.memory_space<semaphore_mem>> -> memref<1x!tpu.dma_semaphore, #tpu.memory_space<semaphore_mem>>
    %dma_start3A_27 = tpu.memref_squeeze %dma_start3A_26 : memref<1x!tpu.dma_semaphore, #tpu.memory_space<semaphore_mem>> -> memref<!tpu.dma_semaphore, #tpu.memory_space<semaphore_mem>>
    tpu.enqueue_indirect_dma source(%dma_start3A_25 : memref<100000x128xf32, #tpu.memory_space<hbm>>) target(%dma_start3A_20 : memref<128x128xf32, #tpu.memory_space<vmem>>) offsets(%dma_start3A_22 : memref<128xi32, #tpu.memory_space<vmem>>) semaphore(%dma_start3A_27 : memref<!tpu.dma_semaphore, #tpu.memory_space<semaphore_mem>>)
    %dma_start3A_28 = arith.constant 2 : i32
    %dma_start3A_29 = arith.constant 2 : i32
    %dma_start3A_30 = arith.constant 0 : i32
    %dma_start3A_31 = arith.constant 0 : i32
    %dma_start3A_32 = tpu.memref_slice %arg6[%dma_start3A_28, %dma_start3A_30, %dma_start3A_31] : memref<4x128x128xf32, #tpu.memory_space<vmem>> -> memref<1x128x128xf32, #tpu.memory_space<vmem>>
    %dma_start3A_33 = tpu.memref_squeeze %dma_start3A_32 : memref<1x128x128xf32, #tpu.memory_space<vmem>> -> memref<128x128xf32, #tpu.memory_space<vmem>>
    %dma_start3A_34 = arith.constant 256 : i32
    %dma_start3A_35 = tpu.memref_slice %arg5[%dma_start3A_34] : memref<25600xi32, #tpu.memory_space<vmem>> -> memref<128xi32, #tpu.memory_space<vmem>>
    %dma_start3A_36 = arith.constant 0 : i32
    %dma_start3A_37 = arith.constant 0 : i32
    %dma_start3A_38 = tpu.memref_slice %arg2[%dma_start3A_36, %dma_start3A_37] : memref<100000x128xf32, #tpu.memory_space<hbm>> -> memref<100000x128xf32, #tpu.memory_space<hbm>>
    %dma_start3A_39 = tpu.memref_slice %arg8[%dma_start3A_29] : memref<4x!tpu.dma_semaphore, #tpu.memory_space<semaphore_mem>> -> memref<1x!tpu.dma_semaphore, #tpu.memory_space<semaphore_mem>>
    %dma_start3A_40 = tpu.memref_squeeze %dma_start3A_39 : memref<1x!tpu.dma_semaphore, #tpu.memory_space<semaphore_mem>> -> memref<!tpu.dma_semaphore, #tpu.memory_space<semaphore_mem>>
    tpu.enqueue_indirect_dma source(%dma_start3A_38 : memref<100000x128xf32, #tpu.memory_space<hbm>>) target(%dma_start3A_33 : memref<128x128xf32, #tpu.memory_space<vmem>>) offsets(%dma_start3A_35 : memref<128xi32, #tpu.memory_space<vmem>>) semaphore(%dma_start3A_40 : memref<!tpu.dma_semaphore, #tpu.memory_space<semaphore_mem>>)
    %dma_wait3A = arith.constant 0 : i32
    %dma_wait3A_41 = arith.constant 0 : i32
    %dma_wait3A_42 = arith.constant 0 : i32
    %dma_wait3A_43 = arith.constant 0 : i32
    %dma_wait3A_44 = tpu.memref_slice %arg6[%dma_wait3A, %dma_wait3A_42, %dma_wait3A_43] : memref<4x128x128xf32, #tpu.memory_space<vmem>> -> memref<1x128x128xf32, #tpu.memory_space<vmem>>
    %dma_wait3A_45 = tpu.memref_squeeze %dma_wait3A_44 : memref<1x128x128xf32, #tpu.memory_space<vmem>> -> memref<128x128xf32, #tpu.memory_space<vmem>>
    %dma_wait3A_46 = arith.constant 0 : i32
    %dma_wait3A_47 = arith.constant 0 : i32
    %dma_wait3A_48 = tpu.memref_slice %arg2[%dma_wait3A_46, %dma_wait3A_47] : memref<100000x128xf32, #tpu.memory_space<hbm>> -> memref<128x128xf32, #tpu.memory_space<hbm>>
    %dma_wait3A_49 = tpu.memref_slice %arg8[%dma_wait3A_41] : memref<4x!tpu.dma_semaphore, #tpu.memory_space<semaphore_mem>> -> memref<1x!tpu.dma_semaphore, #tpu.memory_space<semaphore_mem>>
    %dma_wait3A_50 = tpu.memref_squeeze %dma_wait3A_49 : memref<1x!tpu.dma_semaphore, #tpu.memory_space<semaphore_mem>> -> memref<!tpu.dma_semaphore, #tpu.memory_space<semaphore_mem>>
    %dma_wait3A_51 = arith.constant 0 : i32
    %dma_wait3A_52 = arith.constant 0 : i32
    %dma_wait3A_53 = tpu.memref_slice %arg6[%dma_wait3A, %dma_wait3A_51, %dma_wait3A_52] : memref<4x128x128xf32, #tpu.memory_space<vmem>> -> memref<1x128x128xf32, #tpu.memory_space<vmem>>
    %dma_wait3A_54 = tpu.memref_squeeze %dma_wait3A_53 : memref<1x128x128xf32, #tpu.memory_space<vmem>> -> memref<128x128xf32, #tpu.memory_space<vmem>>
    %dma_wait3A_55 = arith.constant 0 : i32
    %dma_wait3A_56 = arith.constant 0 : i32
    %dma_wait3A_57 = tpu.memref_slice %arg2[%dma_wait3A_55, %dma_wait3A_56] : memref<100000x128xf32, #tpu.memory_space<hbm>> -> memref<128x128xf32, #tpu.memory_space<hbm>>
    tpu.wait_dma2 semaphore(%dma_wait3A_50 : memref<!tpu.dma_semaphore, #tpu.memory_space<semaphore_mem>>) src(%dma_wait3A_57 : memref<128x128xf32, #tpu.memory_space<hbm>>) dst(%dma_wait3A_54 : memref<128x128xf32, #tpu.memory_space<vmem>>)
    %dma_start3A_58 = arith.constant 0 : i32
    %dma_start3A_59 = arith.constant 0 : i32
    %dma_start3A_60 = arith.constant 0 : i32
    %dma_start3A_61 = arith.constant 0 : i32
    %dma_start3A_62 = arith.constant 0 : i32
    %dma_start3A_63 = tpu.memref_slice %arg6[%dma_start3A_58, %dma_start3A_61, %dma_start3A_62] : memref<4x128x128xf32, #tpu.memory_space<vmem>> -> memref<1x128x128xf32, #tpu.memory_space<vmem>>
    %dma_start3A_64 = tpu.memref_squeeze %dma_start3A_63 : memref<1x128x128xf32, #tpu.memory_space<vmem>> -> memref<128x128xf32, #tpu.memory_space<vmem>>
    %dma_start3A_65 = arith.constant 0 : i32
    %dma_start3A_66 = arith.constant 0 : i32
    %dma_start3A_67 = tpu.memref_slice %arg7[%arg1, %dma_start3A_59, %dma_start3A_65, %dma_start3A_66] : memref<16x2x128x128xf32, #tpu.memory_space<vmem_shared>> -> memref<1x1x128x128xf32, #tpu.memory_space<vmem_shared>>
    %dma_start3A_68 = tpu.memref_squeeze %dma_start3A_67 : memref<1x1x128x128xf32, #tpu.memory_space<vmem_shared>> -> memref<128x128xf32, #tpu.memory_space<vmem_shared>>
    %dma_start3A_69 = tpu.memref_slice %arg9[%dma_start3A_60] : memref<2x!tpu.dma_semaphore, #tpu.memory_space<semaphore_mem>> -> memref<1x!tpu.dma_semaphore, #tpu.memory_space<semaphore_mem>>
    %dma_start3A_70 = tpu.memref_squeeze %dma_start3A_69 : memref<1x!tpu.dma_semaphore, #tpu.memory_space<semaphore_mem>> -> memref<!tpu.dma_semaphore, #tpu.memory_space<semaphore_mem>>
    %dma_start3A_71 = arith.constant 0 : i32
    %dma_start3A_72 = arith.constant 0 : i32
    %dma_start3A_73 = tpu.memref_slice %arg7[%arg1, %dma_start3A_59, %dma_start3A_71, %dma_start3A_72] : memref<16x2x128x128xf32, #tpu.memory_space<vmem_shared>> -> memref<1x1x128x128xf32, #tpu.memory_space<vmem_shared>>
    %dma_start3A_74 = tpu.memref_squeeze %dma_start3A_73 : memref<1x1x128x128xf32, #tpu.memory_space<vmem_shared>> -> memref<128x128xf32, #tpu.memory_space<vmem_shared>>
    %dma_start3A_75 = arith.constant 0 : i32
    %dma_start3A_76 = arith.constant 0 : i32
    %dma_start3A_77 = tpu.memref_slice %arg6[%dma_start3A_58, %dma_start3A_75, %dma_start3A_76] : memref<4x128x128xf32, #tpu.memory_space<vmem>> -> memref<1x128x128xf32, #tpu.memory_space<vmem>>
    %dma_start3A_78 = tpu.memref_squeeze %dma_start3A_77 : memref<1x128x128xf32, #tpu.memory_space<vmem>> -> memref<128x128xf32, #tpu.memory_space<vmem>>
    tpu.enqueue_dma source(%dma_start3A_78 : memref<128x128xf32, #tpu.memory_space<vmem>>) target(%dma_start3A_74 : memref<128x128xf32, #tpu.memory_space<vmem_shared>>) target_semaphore(%dma_start3A_70 : memref<!tpu.dma_semaphore, #tpu.memory_space<semaphore_mem>>)
    %dma_start3A_79 = arith.constant 3 : i32
    %dma_start3A_80 = arith.constant 3 : i32
    %dma_start3A_81 = arith.constant 0 : i32
    %dma_start3A_82 = arith.constant 0 : i32
    %dma_start3A_83 = tpu.memref_slice %arg6[%dma_start3A_79, %dma_start3A_81, %dma_start3A_82] : memref<4x128x128xf32, #tpu.memory_space<vmem>> -> memref<1x128x128xf32, #tpu.memory_space<vmem>>
    %dma_start3A_84 = tpu.memref_squeeze %dma_start3A_83 : memref<1x128x128xf32, #tpu.memory_space<vmem>> -> memref<128x128xf32, #tpu.memory_space<vmem>>
    %dma_start3A_85 = arith.constant 384 : i32
    %dma_start3A_86 = tpu.memref_slice %arg5[%dma_start3A_85] : memref<25600xi32, #tpu.memory_space<vmem>> -> memref<128xi32, #tpu.memory_space<vmem>>
    %dma_start3A_87 = arith.constant 0 : i32
    %dma_start3A_88 = arith.constant 0 : i32
    %dma_start3A_89 = tpu.memref_slice %arg2[%dma_start3A_87, %dma_start3A_88] : memref<100000x128xf32, #tpu.memory_space<hbm>> -> memref<100000x128xf32, #tpu.memory_space<hbm>>
    %dma_start3A_90 = tpu.memref_slice %arg8[%dma_start3A_80] : memref<4x!tpu.dma_semaphore, #tpu.memory_space<semaphore_mem>> -> memref<1x!tpu.dma_semaphore, #tpu.memory_space<semaphore_mem>>
    %dma_start3A_91 = tpu.memref_squeeze %dma_start3A_90 : memref<1x!tpu.dma_semaphore, #tpu.memory_space<semaphore_mem>> -> memref<!tpu.dma_semaphore, #tpu.memory_space<semaphore_mem>>
    tpu.enqueue_indirect_dma source(%dma_start3A_89 : memref<100000x128xf32, #tpu.memory_space<hbm>>) target(%dma_start3A_84 : memref<128x128xf32, #tpu.memory_space<vmem>>) offsets(%dma_start3A_86 : memref<128xi32, #tpu.memory_space<vmem>>) semaphore(%dma_start3A_91 : memref<!tpu.dma_semaphore, #tpu.memory_space<semaphore_mem>>)
    %dma_wait3A_92 = arith.constant 1 : i32
    %dma_wait3A_93 = arith.constant 1 : i32
    %dma_wait3A_94 = arith.constant 0 : i32
    %dma_wait3A_95 = arith.constant 0 : i32
    %dma_wait3A_96 = tpu.memref_slice %arg6[%dma_wait3A_92, %dma_wait3A_94, %dma_wait3A_95] : memref<4x128x128xf32, #tpu.memory_space<vmem>> -> memref<1x128x128xf32, #tpu.memory_space<vmem>>
    %dma_wait3A_97 = tpu.memref_squeeze %dma_wait3A_96 : memref<1x128x128xf32, #tpu.memory_space<vmem>> -> memref<128x128xf32, #tpu.memory_space<vmem>>
    %dma_wait3A_98 = arith.constant 0 : i32
    %dma_wait3A_99 = arith.constant 0 : i32
    %dma_wait3A_100 = tpu.memref_slice %arg2[%dma_wait3A_98, %dma_wait3A_99] : memref<100000x128xf32, #tpu.memory_space<hbm>> -> memref<128x128xf32, #tpu.memory_space<hbm>>
    %dma_wait3A_101 = tpu.memref_slice %arg8[%dma_wait3A_93] : memref<4x!tpu.dma_semaphore, #tpu.memory_space<semaphore_mem>> -> memref<1x!tpu.dma_semaphore, #tpu.memory_space<semaphore_mem>>
    %dma_wait3A_102 = tpu.memref_squeeze %dma_wait3A_101 : memref<1x!tpu.dma_semaphore, #tpu.memory_space<semaphore_mem>> -> memref<!tpu.dma_semaphore, #tpu.memory_space<semaphore_mem>>
    %dma_wait3A_103 = arith.constant 0 : i32
    %dma_wait3A_104 = arith.constant 0 : i32
    %dma_wait3A_105 = tpu.memref_slice %arg6[%dma_wait3A_92, %dma_wait3A_103, %dma_wait3A_104] : memref<4x128x128xf32, #tpu.memory_space<vmem>> -> memref<1x128x128xf32, #tpu.memory_space<vmem>>
    %dma_wait3A_106 = tpu.memref_squeeze %dma_wait3A_105 : memref<1x128x128xf32, #tpu.memory_space<vmem>> -> memref<128x128xf32, #tpu.memory_space<vmem>>
    %dma_wait3A_107 = arith.constant 0 : i32
    %dma_wait3A_108 = arith.constant 0 : i32
    %dma_wait3A_109 = tpu.memref_slice %arg2[%dma_wait3A_107, %dma_wait3A_108] : memref<100000x128xf32, #tpu.memory_space<hbm>> -> memref<128x128xf32, #tpu.memory_space<hbm>>
    tpu.wait_dma2 semaphore(%dma_wait3A_102 : memref<!tpu.dma_semaphore, #tpu.memory_space<semaphore_mem>>) src(%dma_wait3A_109 : memref<128x128xf32, #tpu.memory_space<hbm>>) dst(%dma_wait3A_106 : memref<128x128xf32, #tpu.memory_space<vmem>>)
    %add3A_110 = arith.constant 128 : i32
    %add3A_111 = arith.addi %mul3A_2, %add3A_110 : i32
    %dma_start3A_112 = arith.constant 1 : i32
    %dma_start3A_113 = arith.constant 0 : i32
    %dma_start3A_114 = arith.constant 0 : i32
    %dma_start3A_115 = arith.constant 0 : i32
    %dma_start3A_116 = tpu.memref_slice %arg6[%dma_start3A_112, %dma_start3A_114, %dma_start3A_115] : memref<4x128x128xf32, #tpu.memory_space<vmem>> -> memref<1x128x128xf32, #tpu.memory_space<vmem>>
    %dma_start3A_117 = tpu.memref_squeeze %dma_start3A_116 : memref<1x128x128xf32, #tpu.memory_space<vmem>> -> memref<128x128xf32, #tpu.memory_space<vmem>>
    %dma_start3A_118 = arith.constant 0 : i32
    %dma_start3A_119 = tpu.memref_slice %arg4[%add3A_111, %dma_start3A_118] : memref<819200x128xf32, #tpu.memory_space<hbm>> -> memref<128x128xf32, #tpu.memory_space<hbm>>
    %dma_start3A_120 = tpu.memref_slice %arg11[%dma_start3A_113] : memref<2x!tpu.dma_semaphore, #tpu.memory_space<semaphore_mem>> -> memref<1x!tpu.dma_semaphore, #tpu.memory_space<semaphore_mem>>
    %dma_start3A_121 = tpu.memref_squeeze %dma_start3A_120 : memref<1x!tpu.dma_semaphore, #tpu.memory_space<semaphore_mem>> -> memref<!tpu.dma_semaphore, #tpu.memory_space<semaphore_mem>>
    %dma_start3A_122 = arith.constant 0 : i32
    %dma_start3A_123 = tpu.memref_slice %arg4[%add3A_111, %dma_start3A_122] : memref<819200x128xf32, #tpu.memory_space<hbm>> -> memref<128x128xf32, #tpu.memory_space<hbm>>
    %dma_start3A_124 = arith.constant 0 : i32
    %dma_start3A_125 = arith.constant 0 : i32
    %dma_start3A_126 = tpu.memref_slice %arg6[%dma_start3A_112, %dma_start3A_124, %dma_start3A_125] : memref<4x128x128xf32, #tpu.memory_space<vmem>> -> memref<1x128x128xf32, #tpu.memory_space<vmem>>
    %dma_start3A_127 = tpu.memref_squeeze %dma_start3A_126 : memref<1x128x128xf32, #tpu.memory_space<vmem>> -> memref<128x128xf32, #tpu.memory_space<vmem>>
    tpu.enqueue_dma source(%dma_start3A_127 : memref<128x128xf32, #tpu.memory_space<vmem>>) target(%dma_start3A_123 : memref<128x128xf32, #tpu.memory_space<hbm>>) target_semaphore(%dma_start3A_121 : memref<!tpu.dma_semaphore, #tpu.memory_space<semaphore_mem>>)
    %dma_wait3A_128 = arith.constant 0 : i32
    %dma_wait3A_129 = arith.constant 0 : i32
    %dma_wait3A_130 = arith.constant 0 : i32
    %dma_wait3A_131 = arith.constant 0 : i32
    %dma_wait3A_132 = arith.constant 0 : i32
    %dma_wait3A_133 = tpu.memref_slice %arg6[%dma_wait3A_128, %dma_wait3A_131, %dma_wait3A_132] : memref<4x128x128xf32, #tpu.memory_space<vmem>> -> memref<1x128x128xf32, #tpu.memory_space<vmem>>
    %dma_wait3A_134 = tpu.memref_squeeze %dma_wait3A_133 : memref<1x128x128xf32, #tpu.memory_space<vmem>> -> memref<128x128xf32, #tpu.memory_space<vmem>>
    %dma_wait3A_135 = arith.constant 0 : i32
    %dma_wait3A_136 = arith.constant 0 : i32
    %dma_wait3A_137 = tpu.memref_slice %arg7[%arg1, %dma_wait3A_129, %dma_wait3A_135, %dma_wait3A_136] : memref<16x2x128x128xf32, #tpu.memory_space<vmem_shared>> -> memref<1x1x128x128xf32, #tpu.memory_space<vmem_shared>>
    %dma_wait3A_138 = tpu.memref_squeeze %dma_wait3A_137 : memref<1x1x128x128xf32, #tpu.memory_space<vmem_shared>> -> memref<128x128xf32, #tpu.memory_space<vmem_shared>>
    %dma_wait3A_139 = tpu.memref_slice %arg9[%dma_wait3A_130] : memref<2x!tpu.dma_semaphore, #tpu.memory_space<semaphore_mem>> -> memref<1x!tpu.dma_semaphore, #tpu.memory_space<semaphore_mem>>
    %dma_wait3A_140 = tpu.memref_squeeze %dma_wait3A_139 : memref<1x!tpu.dma_semaphore, #tpu.memory_space<semaphore_mem>> -> memref<!tpu.dma_semaphore, #tpu.memory_space<semaphore_mem>>
    %dma_wait3A_141 = arith.constant 0 : i32
    %dma_wait3A_142 = arith.constant 0 : i32
    %dma_wait3A_143 = tpu.memref_slice %arg7[%arg1, %dma_wait3A_129, %dma_wait3A_141, %dma_wait3A_142] : memref<16x2x128x128xf32, #tpu.memory_space<vmem_shared>> -> memref<1x1x128x128xf32, #tpu.memory_space<vmem_shared>>
    %dma_wait3A_144 = tpu.memref_squeeze %dma_wait3A_143 : memref<1x1x128x128xf32, #tpu.memory_space<vmem_shared>> -> memref<128x128xf32, #tpu.memory_space<vmem_shared>>
    %dma_wait3A_145 = arith.constant 0 : i32
    %dma_wait3A_146 = arith.constant 0 : i32
    %dma_wait3A_147 = tpu.memref_slice %arg6[%dma_wait3A_128, %dma_wait3A_145, %dma_wait3A_146] : memref<4x128x128xf32, #tpu.memory_space<vmem>> -> memref<1x128x128xf32, #tpu.memory_space<vmem>>
    %dma_wait3A_148 = tpu.memref_squeeze %dma_wait3A_147 : memref<1x128x128xf32, #tpu.memory_space<vmem>> -> memref<128x128xf32, #tpu.memory_space<vmem>>
    tpu.wait_dma2 semaphore(%dma_wait3A_140 : memref<!tpu.dma_semaphore, #tpu.memory_space<semaphore_mem>>) src(%dma_wait3A_148 : memref<128x128xf32, #tpu.memory_space<vmem>>) dst(%dma_wait3A_144 : memref<128x128xf32, #tpu.memory_space<vmem_shared>>)
    %add3A_149 = arith.constant 0 : i32
    %add3A_150 = arith.addi %mul3A_2, %add3A_149 : i32
    %dma_start3A_151 = arith.constant 0 : i32
    %dma_start3A_152 = arith.constant 0 : i32
    %dma_start3A_153 = tpu.memref_slice %arg10[%dma_start3A_152] : memref<2x!tpu.dma_semaphore, #tpu.memory_space<semaphore_mem>> -> memref<1x!tpu.dma_semaphore, #tpu.memory_space<semaphore_mem>>
    %dma_start3A_154 = tpu.memref_squeeze %dma_start3A_153 : memref<1x!tpu.dma_semaphore, #tpu.memory_space<semaphore_mem>> -> memref<!tpu.dma_semaphore, #tpu.memory_space<semaphore_mem>>
    %dma_start3A_155 = arith.constant 0 : i32
    %dma_start3A_156 = tpu.memref_slice %arg4[%add3A_150, %dma_start3A_155] : memref<819200x128xf32, #tpu.memory_space<hbm>> -> memref<128x128xf32, #tpu.memory_space<hbm>>
    %dma_start3A_157 = arith.constant 0 : i32
    %dma_start3A_158 = arith.constant 0 : i32
    %dma_start3A_159 = tpu.memref_slice %arg7[%arg1, %dma_start3A_151, %dma_start3A_157, %dma_start3A_158] : memref<16x2x128x128xf32, #tpu.memory_space<vmem_shared>> -> memref<1x1x128x128xf32, #tpu.memory_space<vmem_shared>>
    %dma_start3A_160 = tpu.memref_squeeze %dma_start3A_159 : memref<1x1x128x128xf32, #tpu.memory_space<vmem_shared>> -> memref<128x128xf32, #tpu.memory_space<vmem_shared>>
    tpu.enqueue_dma source(%dma_start3A_160 : memref<128x128xf32, #tpu.memory_space<vmem_shared>>) target(%dma_start3A_156 : memref<128x128xf32, #tpu.memory_space<hbm>>) target_semaphore(%dma_start3A_154 : memref<!tpu.dma_semaphore, #tpu.memory_space<semaphore_mem>>)
    %dma_start3A_161 = arith.constant 0 : i32
    %dma_start3A_162 = arith.constant 0 : i32
    %dma_start3A_163 = arith.constant 0 : i32
    %dma_start3A_164 = arith.constant 0 : i32
    %dma_start3A_165 = tpu.memref_slice %arg6[%dma_start3A_161, %dma_start3A_163, %dma_start3A_164] : memref<4x128x128xf32, #tpu.memory_space<vmem>> -> memref<1x128x128xf32, #tpu.memory_space<vmem>>
    %dma_start3A_166 = tpu.memref_squeeze %dma_start3A_165 : memref<1x128x128xf32, #tpu.memory_space<vmem>> -> memref<128x128xf32, #tpu.memory_space<vmem>>
    %dma_start3A_167 = arith.constant 512 : i32
    %dma_start3A_168 = tpu.memref_slice %arg5[%dma_start3A_167] : memref<25600xi32, #tpu.memory_space<vmem>> -> memref<128xi32, #tpu.memory_space<vmem>>
    %dma_start3A_169 = arith.constant 0 : i32
    %dma_start3A_170 = arith.constant 0 : i32
    %dma_start3A_171 = tpu.memref_slice %arg2[%dma_start3A_169, %dma_start3A_170] : memref<100000x128xf32, #tpu.memory_space<hbm>> -> memref<100000x128xf32, #tpu.memory_space<hbm>>
    %dma_start3A_172 = tpu.memref_slice %arg8[%dma_start3A_162] : memref<4x!tpu.dma_semaphore, #tpu.memory_space<semaphore_mem>> -> memref<1x!tpu.dma_semaphore, #tpu.memory_space<semaphore_mem>>
    %dma_start3A_173 = tpu.memref_squeeze %dma_start3A_172 : memref<1x!tpu.dma_semaphore, #tpu.memory_space<semaphore_mem>> -> memref<!tpu.dma_semaphore, #tpu.memory_space<semaphore_mem>>
    tpu.enqueue_indirect_dma source(%dma_start3A_171 : memref<100000x128xf32, #tpu.memory_space<hbm>>) target(%dma_start3A_166 : memref<128x128xf32, #tpu.memory_space<vmem>>) offsets(%dma_start3A_168 : memref<128xi32, #tpu.memory_space<vmem>>) semaphore(%dma_start3A_173 : memref<!tpu.dma_semaphore, #tpu.memory_space<semaphore_mem>>)
    %dma_wait3A_174 = arith.constant 2 : i32
    %dma_wait3A_175 = arith.constant 2 : i32
    %dma_wait3A_176 = arith.constant 0 : i32
    %dma_wait3A_177 = arith.constant 0 : i32
    %dma_wait3A_178 = tpu.memref_slice %arg6[%dma_wait3A_174, %dma_wait3A_176, %dma_wait3A_177] : memref<4x128x128xf32, #tpu.memory_space<vmem>> -> memref<1x128x128xf32, #tpu.memory_space<vmem>>
    %dma_wait3A_179 = tpu.memref_squeeze %dma_wait3A_178 : memref<1x128x128xf32, #tpu.memory_space<vmem>> -> memref<128x128xf32, #tpu.memory_space<vmem>>
    %dma_wait3A_180 = arith.constant 0 : i32
    %dma_wait3A_181 = arith.constant 0 : i32
    %dma_wait3A_182 = tpu.memref_slice %arg2[%dma_wait3A_180, %dma_wait3A_181] : memref<100000x128xf32, #tpu.memory_space<hbm>> -> memref<128x128xf32, #tpu.memory_space<hbm>>
    %dma_wait3A_183 = tpu.memref_slice %arg8[%dma_wait3A_175] : memref<4x!tpu.dma_semaphore, #tpu.memory_space<semaphore_mem>> -> memref<1x!tpu.dma_semaphore, #tpu.memory_space<semaphore_mem>>
    %dma_wait3A_184 = tpu.memref_squeeze %dma_wait3A_183 : memref<1x!tpu.dma_semaphore, #tpu.memory_space<semaphore_mem>> -> memref<!tpu.dma_semaphore, #tpu.memory_space<semaphore_mem>>
    %dma_wait3A_185 = arith.constant 0 : i32
    %dma_wait3A_186 = arith.constant 0 : i32
    %dma_wait3A_187 = tpu.memref_slice %arg6[%dma_wait3A_174, %dma_wait3A_185, %dma_wait3A_186] : memref<4x128x128xf32, #tpu.memory_space<vmem>> -> memref<1x128x128xf32, #tpu.memory_space<vmem>>
    %dma_wait3A_188 = tpu.memref_squeeze %dma_wait3A_187 : memref<1x128x128xf32, #tpu.memory_space<vmem>> -> memref<128x128xf32, #tpu.memory_space<vmem>>
    %dma_wait3A_189 = arith.constant 0 : i32
    %dma_wait3A_190 = arith.constant 0 : i32
    %dma_wait3A_191 = tpu.memref_slice %arg2[%dma_wait3A_189, %dma_wait3A_190] : memref<100000x128xf32, #tpu.memory_space<hbm>> -> memref<128x128xf32, #tpu.memory_space<hbm>>
    tpu.wait_dma2 semaphore(%dma_wait3A_184 : memref<!tpu.dma_semaphore, #tpu.memory_space<semaphore_mem>>) src(%dma_wait3A_191 : memref<128x128xf32, #tpu.memory_space<hbm>>) dst(%dma_wait3A_188 : memref<128x128xf32, #tpu.memory_space<vmem>>)
    %dma_start3A_192 = arith.constant 2 : i32
    %dma_start3A_193 = arith.constant 1 : i32
    %dma_start3A_194 = arith.constant 1 : i32
    %dma_start3A_195 = arith.constant 0 : i32
    %dma_start3A_196 = arith.constant 0 : i32
    %dma_start3A_197 = tpu.memref_slice %arg6[%dma_start3A_192, %dma_start3A_195, %dma_start3A_196] : memref<4x128x128xf32, #tpu.memory_space<vmem>> -> memref<1x128x128xf32, #tpu.memory_space<vmem>>
    %dma_start3A_198 = tpu.memref_squeeze %dma_start3A_197 : memref<1x128x128xf32, #tpu.memory_space<vmem>> -> memref<128x128xf32, #tpu.memory_space<vmem>>
    %dma_start3A_199 = arith.constant 0 : i32
    %dma_start3A_200 = arith.constant 0 : i32
    %dma_start3A_201 = tpu.memref_slice %arg7[%arg1, %dma_start3A_193, %dma_start3A_199, %dma_start3A_200] : memref<16x2x128x128xf32, #tpu.memory_space<vmem_shared>> -> memref<1x1x128x128xf32, #tpu.memory_space<vmem_shared>>
    %dma_start3A_202 = tpu.memref_squeeze %dma_start3A_201 : memref<1x1x128x128xf32, #tpu.memory_space<vmem_shared>> -> memref<128x128xf32, #tpu.memory_space<vmem_shared>>
    %dma_start3A_203 = tpu.memref_slice %arg9[%dma_start3A_194] : memref<2x!tpu.dma_semaphore, #tpu.memory_space<semaphore_mem>> -> memref<1x!tpu.dma_semaphore, #tpu.memory_space<semaphore_mem>>
    %dma_start3A_204 = tpu.memref_squeeze %dma_start3A_203 : memref<1x!tpu.dma_semaphore, #tpu.memory_space<semaphore_mem>> -> memref<!tpu.dma_semaphore, #tpu.memory_space<semaphore_mem>>
    %dma_start3A_205 = arith.constant 0 : i32
    %dma_start3A_206 = arith.constant 0 : i32
    %dma_start3A_207 = tpu.memref_slice %arg7[%arg1, %dma_start3A_193, %dma_start3A_205, %dma_start3A_206] : memref<16x2x128x128xf32, #tpu.memory_space<vmem_shared>> -> memref<1x1x128x128xf32, #tpu.memory_space<vmem_shared>>
    %dma_start3A_208 = tpu.memref_squeeze %dma_start3A_207 : memref<1x1x128x128xf32, #tpu.memory_space<vmem_shared>> -> memref<128x128xf32, #tpu.memory_space<vmem_shared>>
    %dma_start3A_209 = arith.constant 0 : i32
    %dma_start3A_210 = arith.constant 0 : i32
    %dma_start3A_211 = tpu.memref_slice %arg6[%dma_start3A_192, %dma_start3A_209, %dma_start3A_210] : memref<4x128x128xf32, #tpu.memory_space<vmem>> -> memref<1x128x128xf32, #tpu.memory_space<vmem>>
    %dma_start3A_212 = tpu.memref_squeeze %dma_start3A_211 : memref<1x128x128xf32, #tpu.memory_space<vmem>> -> memref<128x128xf32, #tpu.memory_space<vmem>>
    tpu.enqueue_dma source(%dma_start3A_212 : memref<128x128xf32, #tpu.memory_space<vmem>>) target(%dma_start3A_208 : memref<128x128xf32, #tpu.memory_space<vmem_shared>>) target_semaphore(%dma_start3A_204 : memref<!tpu.dma_semaphore, #tpu.memory_space<semaphore_mem>>)
    %dma_wait3A_213 = arith.constant 0 : i32
    %dma_wait3A_214 = arith.constant 0 : i32
    %dma_wait3A_215 = arith.constant 0 : i32
    %dma_wait3A_216 = arith.constant 0 : i32
    %dma_wait3A_217 = tpu.memref_slice %arg6[%dma_wait3A_213, %dma_wait3A_215, %dma_wait3A_216] : memref<4x128x128xf32, #tpu.memory_space<vmem>> -> memref<1x128x128xf32, #tpu.memory_space<vmem>>
    %dma_wait3A_218 = tpu.memref_squeeze %dma_wait3A_217 : memref<1x128x128xf32, #tpu.memory_space<vmem>> -> memref<128x128xf32, #tpu.memory_space<vmem>>
    %dma_wait3A_219 = arith.constant 0 : i32
    %dma_wait3A_220 = arith.constant 0 : i32
    %dma_wait3A_221 = tpu.memref_slice %arg4[%dma_wait3A_219, %dma_wait3A_220] : memref<819200x128xf32, #tpu.memory_space<hbm>> -> memref<128x128xf32, #tpu.memory_space<hbm>>
    %dma_wait3A_222 = tpu.memref_slice %arg11[%dma_wait3A_214] : memref<2x!tpu.dma_semaphore, #tpu.memory_space<semaphore_mem>> -> memref<1x!tpu.dma_semaphore, #tpu.memory_space<semaphore_mem>>
    %dma_wait3A_223 = tpu.memref_squeeze %dma_wait3A_222 : memref<1x!tpu.dma_semaphore, #tpu.memory_space<semaphore_mem>> -> memref<!tpu.dma_semaphore, #tpu.memory_space<semaphore_mem>>
    %dma_wait3A_224 = arith.constant 0 : i32
    %dma_wait3A_225 = arith.constant 0 : i32
    %dma_wait3A_226 = tpu.memref_slice %arg4[%dma_wait3A_224, %dma_wait3A_225] : memref<819200x128xf32, #tpu.memory_space<hbm>> -> memref<128x128xf32, #tpu.memory_space<hbm>>
    %dma_wait3A_227 = arith.constant 0 : i32
    %dma_wait3A_228 = arith.constant 0 : i32
    %dma_wait3A_229 = tpu.memref_slice %arg6[%dma_wait3A_213, %dma_wait3A_227, %dma_wait3A_228] : memref<4x128x128xf32, #tpu.memory_space<vmem>> -> memref<1x128x128xf32, #tpu.memory_space<vmem>>
    %dma_wait3A_230 = tpu.memref_squeeze %dma_wait3A_229 : memref<1x128x128xf32, #tpu.memory_space<vmem>> -> memref<128x128xf32, #tpu.memory_space<vmem>>
    tpu.wait_dma2 semaphore(%dma_wait3A_223 : memref<!tpu.dma_semaphore, #tpu.memory_space<semaphore_mem>>) src(%dma_wait3A_230 : memref<128x128xf32, #tpu.memory_space<vmem>>) dst(%dma_wait3A_226 : memref<128x128xf32, #tpu.memory_space<hbm>>)
    %dma_start3A_231 = arith.constant 1 : i32
    %dma_start3A_232 = arith.constant 1 : i32
    %dma_start3A_233 = arith.constant 0 : i32
    %dma_start3A_234 = arith.constant 0 : i32
    %dma_start3A_235 = tpu.memref_slice %arg6[%dma_start3A_231, %dma_start3A_233, %dma_start3A_234] : memref<4x128x128xf32, #tpu.memory_space<vmem>> -> memref<1x128x128xf32, #tpu.memory_space<vmem>>
    %dma_start3A_236 = tpu.memref_squeeze %dma_start3A_235 : memref<1x128x128xf32, #tpu.memory_space<vmem>> -> memref<128x128xf32, #tpu.memory_space<vmem>>
    %dma_start3A_237 = arith.constant 640 : i32
    %dma_start3A_238 = tpu.memref_slice %arg5[%dma_start3A_237] : memref<25600xi32, #tpu.memory_space<vmem>> -> memref<128xi32, #tpu.memory_space<vmem>>
    %dma_start3A_239 = arith.constant 0 : i32
    %dma_start3A_240 = arith.constant 0 : i32
    %dma_start3A_241 = tpu.memref_slice %arg2[%dma_start3A_239, %dma_start3A_240] : memref<100000x128xf32, #tpu.memory_space<hbm>> -> memref<100000x128xf32, #tpu.memory_space<hbm>>
    %dma_start3A_242 = tpu.memref_slice %arg8[%dma_start3A_232] : memref<4x!tpu.dma_semaphore, #tpu.memory_space<semaphore_mem>> -> memref<1x!tpu.dma_semaphore, #tpu.memory_space<semaphore_mem>>
    %dma_start3A_243 = tpu.memref_squeeze %dma_start3A_242 : memref<1x!tpu.dma_semaphore, #tpu.memory_space<semaphore_mem>> -> memref<!tpu.dma_semaphore, #tpu.memory_space<semaphore_mem>>
    tpu.enqueue_indirect_dma source(%dma_start3A_241 : memref<100000x128xf32, #tpu.memory_space<hbm>>) target(%dma_start3A_236 : memref<128x128xf32, #tpu.memory_space<vmem>>) offsets(%dma_start3A_238 : memref<128xi32, #tpu.memory_space<vmem>>) semaphore(%dma_start3A_243 : memref<!tpu.dma_semaphore, #tpu.memory_space<semaphore_mem>>)
    %dma_wait3A_244 = arith.constant 3 : i32
    %dma_wait3A_245 = arith.constant 3 : i32
    %dma_wait3A_246 = arith.constant 0 : i32
    %dma_wait3A_247 = arith.constant 0 : i32
    %dma_wait3A_248 = tpu.memref_slice %arg6[%dma_wait3A_244, %dma_wait3A_246, %dma_wait3A_247] : memref<4x128x128xf32, #tpu.memory_space<vmem>> -> memref<1x128x128xf32, #tpu.memory_space<vmem>>
    %dma_wait3A_249 = tpu.memref_squeeze %dma_wait3A_248 : memref<1x128x128xf32, #tpu.memory_space<vmem>> -> memref<128x128xf32, #tpu.memory_space<vmem>>
    %dma_wait3A_250 = arith.constant 0 : i32
    %dma_wait3A_251 = arith.constant 0 : i32
    %dma_wait3A_252 = tpu.memref_slice %arg2[%dma_wait3A_250, %dma_wait3A_251] : memref<100000x128xf32, #tpu.memory_space<hbm>> -> memref<128x128xf32, #tpu.memory_space<hbm>>
    %dma_wait3A_253 = tpu.memref_slice %arg8[%dma_wait3A_245] : memref<4x!tpu.dma_semaphore, #tpu.memory_space<semaphore_mem>> -> memref<1x!tpu.dma_semaphore, #tpu.memory_space<semaphore_mem>>
    %dma_wait3A_254 = tpu.memref_squeeze %dma_wait3A_253 : memref<1x!tpu.dma_semaphore, #tpu.memory_space<semaphore_mem>> -> memref<!tpu.dma_semaphore, #tpu.memory_space<semaphore_mem>>
    %dma_wait3A_255 = arith.constant 0 : i32
    %dma_wait3A_256 = arith.constant 0 : i32
    %dma_wait3A_257 = tpu.memref_slice %arg6[%dma_wait3A_244, %dma_wait3A_255, %dma_wait3A_256] : memref<4x128x128xf32, #tpu.memory_space<vmem>> -> memref<1x128x128xf32, #tpu.memory_space<vmem>>
    %dma_wait3A_258 = tpu.memref_squeeze %dma_wait3A_257 : memref<1x128x128xf32, #tpu.memory_space<vmem>> -> memref<128x128xf32, #tpu.memory_space<vmem>>
    %dma_wait3A_259 = arith.constant 0 : i32
    %dma_wait3A_260 = arith.constant 0 : i32
    %dma_wait3A_261 = tpu.memref_slice %arg2[%dma_wait3A_259, %dma_wait3A_260] : memref<100000x128xf32, #tpu.memory_space<hbm>> -> memref<128x128xf32, #tpu.memory_space<hbm>>
    tpu.wait_dma2 semaphore(%dma_wait3A_254 : memref<!tpu.dma_semaphore, #tpu.memory_space<semaphore_mem>>) src(%dma_wait3A_261 : memref<128x128xf32, #tpu.memory_space<hbm>>) dst(%dma_wait3A_258 : memref<128x128xf32, #tpu.memory_space<vmem>>)
    %add3A_262 = arith.constant 384 : i32
    %add3A_263 = arith.addi %mul3A_2, %add3A_262 : i32
    %dma_start3A_264 = arith.constant 3 : i32
    %dma_start3A_265 = arith.constant 1 : i32
    %dma_start3A_266 = arith.constant 0 : i32
    %dma_start3A_267 = arith.constant 0 : i32
    %dma_start3A_268 = tpu.memref_slice %arg6[%dma_start3A_264, %dma_start3A_266, %dma_start3A_267] : memref<4x128x128xf32, #tpu.memory_space<vmem>> -> memref<1x128x128xf32, #tpu.memory_space<vmem>>
    %dma_start3A_269 = tpu.memref_squeeze %dma_start3A_268 : memref<1x128x128xf32, #tpu.memory_space<vmem>> -> memref<128x128xf32, #tpu.memory_space<vmem>>
    %dma_start3A_270 = arith.constant 0 : i32
    %dma_start3A_271 = tpu.memref_slice %arg4[%add3A_263, %dma_start3A_270] : memref<819200x128xf32, #tpu.memory_space<hbm>> -> memref<128x128xf32, #tpu.memory_space<hbm>>
    %dma_start3A_272 = tpu.memref_slice %arg11[%dma_start3A_265] : memref<2x!tpu.dma_semaphore, #tpu.memory_space<semaphore_mem>> -> memref<1x!tpu.dma_semaphore, #tpu.memory_space<semaphore_mem>>
    %dma_start3A_273 = tpu.memref_squeeze %dma_start3A_272 : memref<1x!tpu.dma_semaphore, #tpu.memory_space<semaphore_mem>> -> memref<!tpu.dma_semaphore, #tpu.memory_space<semaphore_mem>>
    %dma_start3A_274 = arith.constant 0 : i32
    %dma_start3A_275 = tpu.memref_slice %arg4[%add3A_263, %dma_start3A_274] : memref<819200x128xf32, #tpu.memory_space<hbm>> -> memref<128x128xf32, #tpu.memory_space<hbm>>
    %dma_start3A_276 = arith.constant 0 : i32
    %dma_start3A_277 = arith.constant 0 : i32
    %dma_start3A_278 = tpu.memref_slice %arg6[%dma_start3A_264, %dma_start3A_276, %dma_start3A_277] : memref<4x128x128xf32, #tpu.memory_space<vmem>> -> memref<1x128x128xf32, #tpu.memory_space<vmem>>
    %dma_start3A_279 = tpu.memref_squeeze %dma_start3A_278 : memref<1x128x128xf32, #tpu.memory_space<vmem>> -> memref<128x128xf32, #tpu.memory_space<vmem>>
    tpu.enqueue_dma source(%dma_start3A_279 : memref<128x128xf32, #tpu.memory_space<vmem>>) target(%dma_start3A_275 : memref<128x128xf32, #tpu.memory_space<hbm>>) target_semaphore(%dma_start3A_273 : memref<!tpu.dma_semaphore, #tpu.memory_space<semaphore_mem>>)
    %dma_wait3A_280 = arith.constant 0 : i32
    %dma_wait3A_281 = arith.constant 1 : i32
    %dma_wait3A_282 = arith.constant 1 : i32
    %dma_wait3A_283 = arith.constant 0 : i32
    %dma_wait3A_284 = arith.constant 0 : i32
    %dma_wait3A_285 = tpu.memref_slice %arg6[%dma_wait3A_280, %dma_wait3A_283, %dma_wait3A_284] : memref<4x128x128xf32, #tpu.memory_space<vmem>> -> memref<1x128x128xf32, #tpu.memory_space<vmem>>
    %dma_wait3A_286 = tpu.memref_squeeze %dma_wait3A_285 : memref<1x128x128xf32, #tpu.memory_space<vmem>> -> memref<128x128xf32, #tpu.memory_space<vmem>>
    %dma_wait3A_287 = arith.constant 0 : i32
    %dma_wait3A_288 = arith.constant 0 : i32
    %dma_wait3A_289 = tpu.memref_slice %arg7[%arg1, %dma_wait3A_281, %dma_wait3A_287, %dma_wait3A_288] : memref<16x2x128x128xf32, #tpu.memory_space<vmem_shared>> -> memref<1x1x128x128xf32, #tpu.memory_space<vmem_shared>>
    %dma_wait3A_290 = tpu.memref_squeeze %dma_wait3A_289 : memref<1x1x128x128xf32, #tpu.memory_space<vmem_shared>> -> memref<128x128xf32, #tpu.memory_space<vmem_shared>>
    %dma_wait3A_291 = tpu.memref_slice %arg9[%dma_wait3A_282] : memref<2x!tpu.dma_semaphore, #tpu.memory_space<semaphore_mem>> -> memref<1x!tpu.dma_semaphore, #tpu.memory_space<semaphore_mem>>
    %dma_wait3A_292 = tpu.memref_squeeze %dma_wait3A_291 : memref<1x!tpu.dma_semaphore, #tpu.memory_space<semaphore_mem>> -> memref<!tpu.dma_semaphore, #tpu.memory_space<semaphore_mem>>
    %dma_wait3A_293 = arith.constant 0 : i32
    %dma_wait3A_294 = arith.constant 0 : i32
    %dma_wait3A_295 = tpu.memref_slice %arg7[%arg1, %dma_wait3A_281, %dma_wait3A_293, %dma_wait3A_294] : memref<16x2x128x128xf32, #tpu.memory_space<vmem_shared>> -> memref<1x1x128x128xf32, #tpu.memory_space<vmem_shared>>
    %dma_wait3A_296 = tpu.memref_squeeze %dma_wait3A_295 : memref<1x1x128x128xf32, #tpu.memory_space<vmem_shared>> -> memref<128x128xf32, #tpu.memory_space<vmem_shared>>
    %dma_wait3A_297 = arith.constant 0 : i32
    %dma_wait3A_298 = arith.constant 0 : i32
    %dma_wait3A_299 = tpu.memref_slice %arg6[%dma_wait3A_280, %dma_wait3A_297, %dma_wait3A_298] : memref<4x128x128xf32, #tpu.memory_space<vmem>> -> memref<1x128x128xf32, #tpu.memory_space<vmem>>
    %dma_wait3A_300 = tpu.memref_squeeze %dma_wait3A_299 : memref<1x128x128xf32, #tpu.memory_space<vmem>> -> memref<128x128xf32, #tpu.memory_space<vmem>>
    tpu.wait_dma2 semaphore(%dma_wait3A_292 : memref<!tpu.dma_semaphore, #tpu.memory_space<semaphore_mem>>) src(%dma_wait3A_300 : memref<128x128xf32, #tpu.memory_space<vmem>>) dst(%dma_wait3A_296 : memref<128x128xf32, #tpu.memory_space<vmem_shared>>)
    %add3A_301 = arith.constant 256 : i32
    %add3A_302 = arith.addi %mul3A_2, %add3A_301 : i32
    %dma_start3A_303 = arith.constant 1 : i32
    %dma_start3A_304 = arith.constant 1 : i32
    %dma_start3A_305 = tpu.memref_slice %arg10[%dma_start3A_304] : memref<2x!tpu.dma_semaphore, #tpu.memory_space<semaphore_mem>> -> memref<1x!tpu.dma_semaphore, #tpu.memory_space<semaphore_mem>>
    %dma_start3A_306 = tpu.memref_squeeze %dma_start3A_305 : memref<1x!tpu.dma_semaphore, #tpu.memory_space<semaphore_mem>> -> memref<!tpu.dma_semaphore, #tpu.memory_space<semaphore_mem>>
    %dma_start3A_307 = arith.constant 0 : i32
    %dma_start3A_308 = tpu.memref_slice %arg4[%add3A_302, %dma_start3A_307] : memref<819200x128xf32, #tpu.memory_space<hbm>> -> memref<128x128xf32, #tpu.memory_space<hbm>>
    %dma_start3A_309 = arith.constant 0 : i32
    %dma_start3A_310 = arith.constant 0 : i32
    %dma_start3A_311 = tpu.memref_slice %arg7[%arg1, %dma_start3A_303, %dma_start3A_309, %dma_start3A_310] : memref<16x2x128x128xf32, #tpu.memory_space<vmem_shared>> -> memref<1x1x128x128xf32, #tpu.memory_space<vmem_shared>>
    %dma_start3A_312 = tpu.memref_squeeze %dma_start3A_311 : memref<1x1x128x128xf32, #tpu.memory_space<vmem_shared>> -> memref<128x128xf32, #tpu.memory_space<vmem_shared>>
    tpu.enqueue_dma source(%dma_start3A_312 : memref<128x128xf32, #tpu.memory_space<vmem_shared>>) target(%dma_start3A_308 : memref<128x128xf32, #tpu.memory_space<hbm>>) target_semaphore(%dma_start3A_306 : memref<!tpu.dma_semaphore, #tpu.memory_space<semaphore_mem>>)
    %dma_start3A_313 = arith.constant 2 : i32
    %dma_start3A_314 = arith.constant 2 : i32
    %dma_start3A_315 = arith.constant 0 : i32
    %dma_start3A_316 = arith.constant 0 : i32
    %dma_start3A_317 = tpu.memref_slice %arg6[%dma_start3A_313, %dma_start3A_315, %dma_start3A_316] : memref<4x128x128xf32, #tpu.memory_space<vmem>> -> memref<1x128x128xf32, #tpu.memory_space<vmem>>
    %dma_start3A_318 = tpu.memref_squeeze %dma_start3A_317 : memref<1x128x128xf32, #tpu.memory_space<vmem>> -> memref<128x128xf32, #tpu.memory_space<vmem>>
    %dma_start3A_319 = arith.constant 768 : i32
    %dma_start3A_320 = tpu.memref_slice %arg5[%dma_start3A_319] : memref<25600xi32, #tpu.memory_space<vmem>> -> memref<128xi32, #tpu.memory_space<vmem>>
    %dma_start3A_321 = arith.constant 0 : i32
    %dma_start3A_322 = arith.constant 0 : i32
    %dma_start3A_323 = tpu.memref_slice %arg2[%dma_start3A_321, %dma_start3A_322] : memref<100000x128xf32, #tpu.memory_space<hbm>> -> memref<100000x128xf32, #tpu.memory_space<hbm>>
    %dma_start3A_324 = tpu.memref_slice %arg8[%dma_start3A_314] : memref<4x!tpu.dma_semaphore, #tpu.memory_space<semaphore_mem>> -> memref<1x!tpu.dma_semaphore, #tpu.memory_space<semaphore_mem>>
    %dma_start3A_325 = tpu.memref_squeeze %dma_start3A_324 : memref<1x!tpu.dma_semaphore, #tpu.memory_space<semaphore_mem>> -> memref<!tpu.dma_semaphore, #tpu.memory_space<semaphore_mem>>
    tpu.enqueue_indirect_dma source(%dma_start3A_323 : memref<100000x128xf32, #tpu.memory_space<hbm>>) target(%dma_start3A_318 : memref<128x128xf32, #tpu.memory_space<vmem>>) offsets(%dma_start3A_320 : memref<128xi32, #tpu.memory_space<vmem>>) semaphore(%dma_start3A_325 : memref<!tpu.dma_semaphore, #tpu.memory_space<semaphore_mem>>)
    %dma_wait3A_326 = arith.constant 0 : i32
    %dma_wait3A_327 = arith.constant 0 : i32
    %dma_wait3A_328 = arith.constant 0 : i32
    %dma_wait3A_329 = arith.constant 0 : i32
    %dma_wait3A_330 = tpu.memref_slice %arg6[%dma_wait3A_326, %dma_wait3A_328, %dma_wait3A_329] : memref<4x128x128xf32, #tpu.memory_space<vmem>> -> memref<1x128x128xf32, #tpu.memory_space<vmem>>
    %dma_wait3A_331 = tpu.memref_squeeze %dma_wait3A_330 : memref<1x128x128xf32, #tpu.memory_space<vmem>> -> memref<128x128xf32, #tpu.memory_space<vmem>>
    %dma_wait3A_332 = arith.constant 0 : i32
    %dma_wait3A_333 = arith.constant 0 : i32
    %dma_wait3A_334 = tpu.memref_slice %arg2[%dma_wait3A_332, %dma_wait3A_333] : memref<100000x128xf32, #tpu.memory_space<hbm>> -> memref<128x128xf32, #tpu.memory_space<hbm>>
    %dma_wait3A_335 = tpu.memref_slice %arg8[%dma_wait3A_327] : memref<4x!tpu.dma_semaphore, #tpu.memory_space<semaphore_mem>> -> memref<1x!tpu.dma_semaphore, #tpu.memory_space<semaphore_mem>>
    %dma_wait3A_336 = tpu.memref_squeeze %dma_wait3A_335 : memref<1x!tpu.dma_semaphore, #tpu.memory_space<semaphore_mem>> -> memref<!tpu.dma_semaphore, #tpu.memory_space<semaphore_mem>>
    %dma_wait3A_337 = arith.constant 0 : i32
    %dma_wait3A_338 = arith.constant 0 : i32
    %dma_wait3A_339 = tpu.memref_slice %arg6[%dma_wait3A_326, %dma_wait3A_337, %dma_wait3A_338] : memref<4x128x128xf32, #tpu.memory_space<vmem>> -> memref<1x128x128xf32, #tpu.memory_space<vmem>>
    %dma_wait3A_340 = tpu.memref_squeeze %dma_wait3A_339 : memref<1x128x128xf32, #tpu.memory_space<vmem>> -> memref<128x128xf32, #tpu.memory_space<vmem>>
    %dma_wait3A_341 = arith.constant 0 : i32
    %dma_wait3A_342 = arith.constant 0 : i32
    %dma_wait3A_343 = tpu.memref_slice %arg2[%dma_wait3A_341, %dma_wait3A_342] : memref<100000x128xf32, #tpu.memory_space<hbm>> -> memref<128x128xf32, #tpu.memory_space<hbm>>
    tpu.wait_dma2 semaphore(%dma_wait3A_336 : memref<!tpu.dma_semaphore, #tpu.memory_space<semaphore_mem>>) src(%dma_wait3A_343 : memref<128x128xf32, #tpu.memory_space<hbm>>) dst(%dma_wait3A_340 : memref<128x128xf32, #tpu.memory_space<vmem>>)
    %dma_wait3A_344 = arith.constant 0 : i32
    %dma_wait3A_345 = arith.constant 0 : i32
    %dma_wait3A_346 = tpu.memref_slice %arg10[%dma_wait3A_345] : memref<2x!tpu.dma_semaphore, #tpu.memory_space<semaphore_mem>> -> memref<1x!tpu.dma_semaphore, #tpu.memory_space<semaphore_mem>>
    %dma_wait3A_347 = tpu.memref_squeeze %dma_wait3A_346 : memref<1x!tpu.dma_semaphore, #tpu.memory_space<semaphore_mem>> -> memref<!tpu.dma_semaphore, #tpu.memory_space<semaphore_mem>>
    %dma_wait3A_348 = arith.constant 0 : i32
    %dma_wait3A_349 = arith.constant 0 : i32
    %dma_wait3A_350 = tpu.memref_slice %arg4[%dma_wait3A_348, %dma_wait3A_349] : memref<819200x128xf32, #tpu.memory_space<hbm>> -> memref<128x128xf32, #tpu.memory_space<hbm>>
    %dma_wait3A_351 = arith.constant 0 : i32
    %dma_wait3A_352 = arith.constant 0 : i32
    %dma_wait3A_353 = tpu.memref_slice %arg7[%arg1, %dma_wait3A_344, %dma_wait3A_351, %dma_wait3A_352] : memref<16x2x128x128xf32, #tpu.memory_space<vmem_shared>> -> memref<1x1x128x128xf32, #tpu.memory_space<vmem_shared>>
    %dma_wait3A_354 = tpu.memref_squeeze %dma_wait3A_353 : memref<1x1x128x128xf32, #tpu.memory_space<vmem_shared>> -> memref<128x128xf32, #tpu.memory_space<vmem_shared>>
    tpu.wait_dma2 semaphore(%dma_wait3A_347 : memref<!tpu.dma_semaphore, #tpu.memory_space<semaphore_mem>>) src(%dma_wait3A_354 : memref<128x128xf32, #tpu.memory_space<vmem_shared>>) dst(%dma_wait3A_350 : memref<128x128xf32, #tpu.memory_space<hbm>>)
    %dma_start3A_355 = arith.constant 0 : i32
    %dma_start3A_356 = arith.constant 0 : i32
    %dma_start3A_357 = arith.constant 0 : i32
    %dma_start3A_358 = arith.constant 0 : i32
    %dma_start3A_359 = arith.constant 0 : i32
    %dma_start3A_360 = tpu.memref_slice %arg6[%dma_start3A_355, %dma_start3A_358, %dma_start3A_359] : memref<4x128x128xf32, #tpu.memory_space<vmem>> -> memref<1x128x128xf32, #tpu.memory_space<vmem>>
    %dma_start3A_361 = tpu.memref_squeeze %dma_start3A_360 : memref<1x128x128xf32, #tpu.memory_space<vmem>> -> memref<128x128xf32, #tpu.memory_space<vmem>>
    %dma_start3A_362 = arith.constant 0 : i32
    %dma_start3A_363 = arith.constant 0 : i32
    %dma_start3A_364 = tpu.memref_slice %arg7[%arg1, %dma_start3A_356, %dma_start3A_362, %dma_start3A_363] : memref<16x2x128x128xf32, #tpu.memory_space<vmem_shared>> -> memref<1x1x128x128xf32, #tpu.memory_space<vmem_shared>>
    %dma_start3A_365 = tpu.memref_squeeze %dma_start3A_364 : memref<1x1x128x128xf32, #tpu.memory_space<vmem_shared>> -> memref<128x128xf32, #tpu.memory_space<vmem_shared>>
    %dma_start3A_366 = tpu.memref_slice %arg9[%dma_start3A_357] : memref<2x!tpu.dma_semaphore, #tpu.memory_space<semaphore_mem>> -> memref<1x!tpu.dma_semaphore, #tpu.memory_space<semaphore_mem>>
    %dma_start3A_367 = tpu.memref_squeeze %dma_start3A_366 : memref<1x!tpu.dma_semaphore, #tpu.memory_space<semaphore_mem>> -> memref<!tpu.dma_semaphore, #tpu.memory_space<semaphore_mem>>
    %dma_start3A_368 = arith.constant 0 : i32
    %dma_start3A_369 = arith.constant 0 : i32
    %dma_start3A_370 = tpu.memref_slice %arg7[%arg1, %dma_start3A_356, %dma_start3A_368, %dma_start3A_369] : memref<16x2x128x128xf32, #tpu.memory_space<vmem_shared>> -> memref<1x1x128x128xf32, #tpu.memory_space<vmem_shared>>
    %dma_start3A_371 = tpu.memref_squeeze %dma_start3A_370 : memref<1x1x128x128xf32, #tpu.memory_space<vmem_shared>> -> memref<128x128xf32, #tpu.memory_space<vmem_shared>>
    %dma_start3A_372 = arith.constant 0 : i32
    %dma_start3A_373 = arith.constant 0 : i32
    %dma_start3A_374 = tpu.memref_slice %arg6[%dma_start3A_355, %dma_start3A_372, %dma_start3A_373] : memref<4x128x128xf32, #tpu.memory_space<vmem>> -> memref<1x128x128xf32, #tpu.memory_space<vmem>>
    %dma_start3A_375 = tpu.memref_squeeze %dma_start3A_374 : memref<1x128x128xf32, #tpu.memory_space<vmem>> -> memref<128x128xf32, #tpu.memory_space<vmem>>
    tpu.enqueue_dma source(%dma_start3A_375 : memref<128x128xf32, #tpu.memory_space<vmem>>) target(%dma_start3A_371 : memref<128x128xf32, #tpu.memory_space<vmem_shared>>) target_semaphore(%dma_start3A_367 : memref<!tpu.dma_semaphore, #tpu.memory_space<semaphore_mem>>)
    %dma_wait3A_376 = arith.constant 0 : i32
    %dma_wait3A_377 = arith.constant 1 : i32
    %dma_wait3A_378 = arith.constant 0 : i32
    %dma_wait3A_379 = arith.constant 0 : i32
    %dma_wait3A_380 = tpu.memref_slice %arg6[%dma_wait3A_376, %dma_wait3A_378, %dma_wait3A_379] : memref<4x128x128xf32, #tpu.memory_space<vmem>> -> memref<1x128x128xf32, #tpu.memory_space<vmem>>
    %dma_wait3A_381 = tpu.memref_squeeze %dma_wait3A_380 : memref<1x128x128xf32, #tpu.memory_space<vmem>> -> memref<128x128xf32, #tpu.memory_space<vmem>>
    %dma_wait3A_382 = arith.constant 0 : i32
    %dma_wait3A_383 = arith.constant 0 : i32
    %dma_wait3A_384 = tpu.memref_slice %arg4[%dma_wait3A_382, %dma_wait3A_383] : memref<819200x128xf32, #tpu.memory_space<hbm>> -> memref<128x128xf32, #tpu.memory_space<hbm>>
    %dma_wait3A_385 = tpu.memref_slice %arg11[%dma_wait3A_377] : memref<2x!tpu.dma_semaphore, #tpu.memory_space<semaphore_mem>> -> memref<1x!tpu.dma_semaphore, #tpu.memory_space<semaphore_mem>>
    %dma_wait3A_386 = tpu.memref_squeeze %dma_wait3A_385 : memref<1x!tpu.dma_semaphore, #tpu.memory_space<semaphore_mem>> -> memref<!tpu.dma_semaphore, #tpu.memory_space<semaphore_mem>>
    %dma_wait3A_387 = arith.constant 0 : i32
    %dma_wait3A_388 = arith.constant 0 : i32
    %dma_wait3A_389 = tpu.memref_slice %arg4[%dma_wait3A_387, %dma_wait3A_388] : memref<819200x128xf32, #tpu.memory_space<hbm>> -> memref<128x128xf32, #tpu.memory_space<hbm>>
    %dma_wait3A_390 = arith.constant 0 : i32
    %dma_wait3A_391 = arith.constant 0 : i32
    %dma_wait3A_392 = tpu.memref_slice %arg6[%dma_wait3A_376, %dma_wait3A_390, %dma_wait3A_391] : memref<4x128x128xf32, #tpu.memory_space<vmem>> -> memref<1x128x128xf32, #tpu.memory_space<vmem>>
    %dma_wait3A_393 = tpu.memref_squeeze %dma_wait3A_392 : memref<1x128x128xf32, #tpu.memory_space<vmem>> -> memref<128x128xf32, #tpu.memory_space<vmem>>
    tpu.wait_dma2 semaphore(%dma_wait3A_386 : memref<!tpu.dma_semaphore, #tpu.memory_space<semaphore_mem>>) src(%dma_wait3A_393 : memref<128x128xf32, #tpu.memory_space<vmem>>) dst(%dma_wait3A_389 : memref<128x128xf32, #tpu.memory_space<hbm>>)
    %dma_start3A_394 = arith.constant 3 : i32
    %dma_start3A_395 = arith.constant 3 : i32
    %dma_start3A_396 = arith.constant 0 : i32
    %dma_start3A_397 = arith.constant 0 : i32
    %dma_start3A_398 = tpu.memref_slice %arg6[%dma_start3A_394, %dma_start3A_396, %dma_start3A_397] : memref<4x128x128xf32, #tpu.memory_space<vmem>> -> memref<1x128x128xf32, #tpu.memory_space<vmem>>
    %dma_start3A_399 = tpu.memref_squeeze %dma_start3A_398 : memref<1x128x128xf32, #tpu.memory_space<vmem>> -> memref<128x128xf32, #tpu.memory_space<vmem>>
    %dma_start3A_400 = arith.constant 896 : i32
    %dma_start3A_401 = tpu.memref_slice %arg5[%dma_start3A_400] : memref<25600xi32, #tpu.memory_space<vmem>> -> memref<128xi32, #tpu.memory_space<vmem>>
    %dma_start3A_402 = arith.constant 0 : i32
    %dma_start3A_403 = arith.constant 0 : i32
    %dma_start3A_404 = tpu.memref_slice %arg2[%dma_start3A_402, %dma_start3A_403] : memref<100000x128xf32, #tpu.memory_space<hbm>> -> memref<100000x128xf32, #tpu.memory_space<hbm>>
    %dma_start3A_405 = tpu.memref_slice %arg8[%dma_start3A_395] : memref<4x!tpu.dma_semaphore, #tpu.memory_space<semaphore_mem>> -> memref<1x!tpu.dma_semaphore, #tpu.memory_space<semaphore_mem>>
    %dma_start3A_406 = tpu.memref_squeeze %dma_start3A_405 : memref<1x!tpu.dma_semaphore, #tpu.memory_space<semaphore_mem>> -> memref<!tpu.dma_semaphore, #tpu.memory_space<semaphore_mem>>
    tpu.enqueue_indirect_dma source(%dma_start3A_404 : memref<100000x128xf32, #tpu.memory_space<hbm>>) target(%dma_start3A_399 : memref<128x128xf32, #tpu.memory_space<vmem>>) offsets(%dma_start3A_401 : memref<128xi32, #tpu.memory_space<vmem>>) semaphore(%dma_start3A_406 : memref<!tpu.dma_semaphore, #tpu.memory_space<semaphore_mem>>)
    %dma_wait3A_407 = arith.constant 1 : i32
    %dma_wait3A_408 = arith.constant 1 : i32
    %dma_wait3A_409 = arith.constant 0 : i32
    %dma_wait3A_410 = arith.constant 0 : i32
    %dma_wait3A_411 = tpu.memref_slice %arg6[%dma_wait3A_407, %dma_wait3A_409, %dma_wait3A_410] : memref<4x128x128xf32, #tpu.memory_space<vmem>> -> memref<1x128x128xf32, #tpu.memory_space<vmem>>
    %dma_wait3A_412 = tpu.memref_squeeze %dma_wait3A_411 : memref<1x128x128xf32, #tpu.memory_space<vmem>> -> memref<128x128xf32, #tpu.memory_space<vmem>>
    %dma_wait3A_413 = arith.constant 0 : i32
    %dma_wait3A_414 = arith.constant 0 : i32
    %dma_wait3A_415 = tpu.memref_slice %arg2[%dma_wait3A_413, %dma_wait3A_414] : memref<100000x128xf32, #tpu.memory_space<hbm>> -> memref<128x128xf32, #tpu.memory_space<hbm>>
    %dma_wait3A_416 = tpu.memref_slice %arg8[%dma_wait3A_408] : memref<4x!tpu.dma_semaphore, #tpu.memory_space<semaphore_mem>> -> memref<1x!tpu.dma_semaphore, #tpu.memory_space<semaphore_mem>>
    %dma_wait3A_417 = tpu.memref_squeeze %dma_wait3A_416 : memref<1x!tpu.dma_semaphore, #tpu.memory_space<semaphore_mem>> -> memref<!tpu.dma_semaphore, #tpu.memory_space<semaphore_mem>>
    %dma_wait3A_418 = arith.constant 0 : i32
    %dma_wait3A_419 = arith.constant 0 : i32
    %dma_wait3A_420 = tpu.memref_slice %arg6[%dma_wait3A_407, %dma_wait3A_418, %dma_wait3A_419] : memref<4x128x128xf32, #tpu.memory_space<vmem>> -> memref<1x128x128xf32, #tpu.memory_space<vmem>>
    %dma_wait3A_421 = tpu.memref_squeeze %dma_wait3A_420 : memref<1x128x128xf32, #tpu.memory_space<vmem>> -> memref<128x128xf32, #tpu.memory_space<vmem>>
    %dma_wait3A_422 = arith.constant 0 : i32
    %dma_wait3A_423 = arith.constant 0 : i32
    %dma_wait3A_424 = tpu.memref_slice %arg2[%dma_wait3A_422, %dma_wait3A_423] : memref<100000x128xf32, #tpu.memory_space<hbm>> -> memref<128x128xf32, #tpu.memory_space<hbm>>
    tpu.wait_dma2 semaphore(%dma_wait3A_417 : memref<!tpu.dma_semaphore, #tpu.memory_space<semaphore_mem>>) src(%dma_wait3A_424 : memref<128x128xf32, #tpu.memory_space<hbm>>) dst(%dma_wait3A_421 : memref<128x128xf32, #tpu.memory_space<vmem>>)
    %add3A_425 = arith.constant 640 : i32
    %add3A_426 = arith.addi %mul3A_2, %add3A_425 : i32
    %dma_start3A_427 = arith.constant 1 : i32
    %dma_start3A_428 = arith.constant 0 : i32
    %dma_start3A_429 = arith.constant 0 : i32
    %dma_start3A_430 = arith.constant 0 : i32
    %dma_start3A_431 = tpu.memref_slice %arg6[%dma_start3A_427, %dma_start3A_429, %dma_start3A_430] : memref<4x128x128xf32, #tpu.memory_space<vmem>> -> memref<1x128x128xf32, #tpu.memory_space<vmem>>
    %dma_start3A_432 = tpu.memref_squeeze %dma_start3A_431 : memref<1x128x128xf32, #tpu.memory_space<vmem>> -> memref<128x128xf32, #tpu.memory_space<vmem>>
    %dma_start3A_433 = arith.constant 0 : i32
    %dma_start3A_434 = tpu.memref_slice %arg4[%add3A_426, %dma_start3A_433] : memref<819200x128xf32, #tpu.memory_space<hbm>> -> memref<128x128xf32, #tpu.memory_space<hbm>>
    %dma_start3A_435 = tpu.memref_slice %arg11[%dma_start3A_428] : memref<2x!tpu.dma_semaphore, #tpu.memory_space<semaphore_mem>> -> memref<1x!tpu.dma_semaphore, #tpu.memory_space<semaphore_mem>>
    %dma_start3A_436 = tpu.memref_squeeze %dma_start3A_435 : memref<1x!tpu.dma_semaphore, #tpu.memory_space<semaphore_mem>> -> memref<!tpu.dma_semaphore, #tpu.memory_space<semaphore_mem>>
    %dma_start3A_437 = arith.constant 0 : i32
    %dma_start3A_438 = tpu.memref_slice %arg4[%add3A_426, %dma_start3A_437] : memref<819200x128xf32, #tpu.memory_space<hbm>> -> memref<128x128xf32, #tpu.memory_space<hbm>>
    %dma_start3A_439 = arith.constant 0 : i32
    %dma_start3A_440 = arith.constant 0 : i32
    %dma_start3A_441 = tpu.memref_slice %arg6[%dma_start3A_427, %dma_start3A_439, %dma_start3A_440] : memref<4x128x128xf32, #tpu.memory_space<vmem>> -> memref<1x128x128xf32, #tpu.memory_space<vmem>>
    %dma_start3A_442 = tpu.memref_squeeze %dma_start3A_441 : memref<1x128x128xf32, #tpu.memory_space<vmem>> -> memref<128x128xf32, #tpu.memory_space<vmem>>
    tpu.enqueue_dma source(%dma_start3A_442 : memref<128x128xf32, #tpu.memory_space<vmem>>) target(%dma_start3A_438 : memref<128x128xf32, #tpu.memory_space<hbm>>) target_semaphore(%dma_start3A_436 : memref<!tpu.dma_semaphore, #tpu.memory_space<semaphore_mem>>)
    %dma_wait3A_443 = arith.constant 0 : i32
    %dma_wait3A_444 = arith.constant 0 : i32
    %dma_wait3A_445 = arith.constant 0 : i32
    %dma_wait3A_446 = arith.constant 0 : i32
    %dma_wait3A_447 = arith.constant 0 : i32
    %dma_wait3A_448 = tpu.memref_slice %arg6[%dma_wait3A_443, %dma_wait3A_446, %dma_wait3A_447] : memref<4x128x128xf32, #tpu.memory_space<vmem>> -> memref<1x128x128xf32, #tpu.memory_space<vmem>>
    %dma_wait3A_449 = tpu.memref_squeeze %dma_wait3A_448 : memref<1x128x128xf32, #tpu.memory_space<vmem>> -> memref<128x128xf32, #tpu.memory_space<vmem>>
    %dma_wait3A_450 = arith.constant 0 : i32
    %dma_wait3A_451 = arith.constant 0 : i32
    %dma_wait3A_452 = tpu.memref_slice %arg7[%arg1, %dma_wait3A_444, %dma_wait3A_450, %dma_wait3A_451] : memref<16x2x128x128xf32, #tpu.memory_space<vmem_shared>> -> memref<1x1x128x128xf32, #tpu.memory_space<vmem_shared>>
    %dma_wait3A_453 = tpu.memref_squeeze %dma_wait3A_452 : memref<1x1x128x128xf32, #tpu.memory_space<vmem_shared>> -> memref<128x128xf32, #tpu.memory_space<vmem_shared>>
    %dma_wait3A_454 = tpu.memref_slice %arg9[%dma_wait3A_445] : memref<2x!tpu.dma_semaphore, #tpu.memory_space<semaphore_mem>> -> memref<1x!tpu.dma_semaphore, #tpu.memory_space<semaphore_mem>>
    %dma_wait3A_455 = tpu.memref_squeeze %dma_wait3A_454 : memref<1x!tpu.dma_semaphore, #tpu.memory_space<semaphore_mem>> -> memref<!tpu.dma_semaphore, #tpu.memory_space<semaphore_mem>>
    %dma_wait3A_456 = arith.constant 0 : i32
    %dma_wait3A_457 = arith.constant 0 : i32
    %dma_wait3A_458 = tpu.memref_slice %arg7[%arg1, %dma_wait3A_444, %dma_wait3A_456, %dma_wait3A_457] : memref<16x2x128x128xf32, #tpu.memory_space<vmem_shared>> -> memref<1x1x128x128xf32, #tpu.memory_space<vmem_shared>>
    %dma_wait3A_459 = tpu.memref_squeeze %dma_wait3A_458 : memref<1x1x128x128xf32, #tpu.memory_space<vmem_shared>> -> memref<128x128xf32, #tpu.memory_space<vmem_shared>>
    %dma_wait3A_460 = arith.constant 0 : i32
    %dma_wait3A_461 = arith.constant 0 : i32
    %dma_wait3A_462 = tpu.memref_slice %arg6[%dma_wait3A_443, %dma_wait3A_460, %dma_wait3A_461] : memref<4x128x128xf32, #tpu.memory_space<vmem>> -> memref<1x128x128xf32, #tpu.memory_space<vmem>>
    %dma_wait3A_463 = tpu.memref_squeeze %dma_wait3A_462 : memref<1x128x128xf32, #tpu.memory_space<vmem>> -> memref<128x128xf32, #tpu.memory_space<vmem>>
    tpu.wait_dma2 semaphore(%dma_wait3A_455 : memref<!tpu.dma_semaphore, #tpu.memory_space<semaphore_mem>>) src(%dma_wait3A_463 : memref<128x128xf32, #tpu.memory_space<vmem>>) dst(%dma_wait3A_459 : memref<128x128xf32, #tpu.memory_space<vmem_shared>>)
    %add3A_464 = arith.constant 512 : i32
    %add3A_465 = arith.addi %mul3A_2, %add3A_464 : i32
    %dma_start3A_466 = arith.constant 0 : i32
    %dma_start3A_467 = arith.constant 0 : i32
    %dma_start3A_468 = tpu.memref_slice %arg10[%dma_start3A_467] : memref<2x!tpu.dma_semaphore, #tpu.memory_space<semaphore_mem>> -> memref<1x!tpu.dma_semaphore, #tpu.memory_space<semaphore_mem>>
    %dma_start3A_469 = tpu.memref_squeeze %dma_start3A_468 : memref<1x!tpu.dma_semaphore, #tpu.memory_space<semaphore_mem>> -> memref<!tpu.dma_semaphore, #tpu.memory_space<semaphore_mem>>
    %dma_start3A_470 = arith.constant 0 : i32
    %dma_start3A_471 = tpu.memref_slice %arg4[%add3A_465, %dma_start3A_470] : memref<819200x128xf32, #tpu.memory_space<hbm>> -> memref<128x128xf32, #tpu.memory_space<hbm>>
    %dma_start3A_472 = arith.constant 0 : i32
    %dma_start3A_473 = arith.constant 0 : i32
    %dma_start3A_474 = tpu.memref_slice %arg7[%arg1, %dma_start3A_466, %dma_start3A_472, %dma_start3A_473] : memref<16x2x128x128xf32, #tpu.memory_space<vmem_shared>> -> memref<1x1x128x128xf32, #tpu.memory_space<vmem_shared>>
    %dma_start3A_475 = tpu.memref_squeeze %dma_start3A_474 : memref<1x1x128x128xf32, #tpu.memory_space<vmem_shared>> -> memref<128x128xf32, #tpu.memory_space<vmem_shared>>
    tpu.enqueue_dma source(%dma_start3A_475 : memref<128x128xf32, #tpu.memory_space<vmem_shared>>) target(%dma_start3A_471 : memref<128x128xf32, #tpu.memory_space<hbm>>) target_semaphore(%dma_start3A_469 : memref<!tpu.dma_semaphore, #tpu.memory_space<semaphore_mem>>)
    %scan3A = arith.constant 0 : i32
    %scan3A_476 = arith.constant 48 : i32
    %scan3A_477 = arith.addi %scan3A, %scan3A_476 : i32
    %scan3A_478 = arith.constant 1 : i32
    scf.for %scan3A_657 = %scan3A to %scan3A_477 step %scan3A_478  : i32 {
      %mul3A_658 = arith.constant 4 : i32
      %mul3A_659 = arith.muli %scan3A_657, %mul3A_658 : i32
      %add3A_660 = arith.constant 8 : i32
      %add3A_661 = arith.addi %add3A_660, %mul3A_659 : i32
      %mul3A_662 = arith.constant 128 : i32
      %mul3A_663 = arith.muli %add3A_661, %mul3A_662 : i32
      %dma_start3A_664 = arith.constant 0 : i32
      %dma_start3A_665 = arith.constant 0 : i32
      %dma_start3A_666 = arith.constant 0 : i32
      %dma_start3A_667 = arith.constant 0 : i32
      %dma_start3A_668 = tpu.memref_slice %arg6[%dma_start3A_664, %dma_start3A_666, %dma_start3A_667] : memref<4x128x128xf32, #tpu.memory_space<vmem>> -> memref<1x128x128xf32, #tpu.memory_space<vmem>>
      %dma_start3A_669 = tpu.memref_squeeze %dma_start3A_668 : memref<1x128x128xf32, #tpu.memory_space<vmem>> -> memref<128x128xf32, #tpu.memory_space<vmem>>
      %dma_start3A_670 = tpu.memref_slice %arg5[%mul3A_663] : memref<25600xi32, #tpu.memory_space<vmem>> -> memref<128xi32, #tpu.memory_space<vmem>>
      %dma_start3A_671 = arith.constant 0 : i32
      %dma_start3A_672 = arith.constant 0 : i32
      %dma_start3A_673 = tpu.memref_slice %arg2[%dma_start3A_671, %dma_start3A_672] : memref<100000x128xf32, #tpu.memory_space<hbm>> -> memref<100000x128xf32, #tpu.memory_space<hbm>>
      %dma_start3A_674 = tpu.memref_slice %arg8[%dma_start3A_665] : memref<4x!tpu.dma_semaphore, #tpu.memory_space<semaphore_mem>> -> memref<1x!tpu.dma_semaphore, #tpu.memory_space<semaphore_mem>>
      %dma_start3A_675 = tpu.memref_squeeze %dma_start3A_674 : memref<1x!tpu.dma_semaphore, #tpu.memory_space<semaphore_mem>> -> memref<!tpu.dma_semaphore, #tpu.memory_space<semaphore_mem>>
      tpu.enqueue_indirect_dma source(%dma_start3A_673 : memref<100000x128xf32, #tpu.memory_space<hbm>>) target(%dma_start3A_669 : memref<128x128xf32, #tpu.memory_space<vmem>>) offsets(%dma_start3A_670 : memref<128xi32, #tpu.memory_space<vmem>>) semaphore(%dma_start3A_675 : memref<!tpu.dma_semaphore, #tpu.memory_space<semaphore_mem>>)
      %dma_wait3A_676 = arith.constant 2 : i32
      %dma_wait3A_677 = arith.constant 2 : i32
      %dma_wait3A_678 = arith.constant 0 : i32
      %dma_wait3A_679 = arith.constant 0 : i32
      %dma_wait3A_680 = tpu.memref_slice %arg6[%dma_wait3A_676, %dma_wait3A_678, %dma_wait3A_679] : memref<4x128x128xf32, #tpu.memory_space<vmem>> -> memref<1x128x128xf32, #tpu.memory_space<vmem>>
      %dma_wait3A_681 = tpu.memref_squeeze %dma_wait3A_680 : memref<1x128x128xf32, #tpu.memory_space<vmem>> -> memref<128x128xf32, #tpu.memory_space<vmem>>
      %dma_wait3A_682 = arith.constant 0 : i32
      %dma_wait3A_683 = arith.constant 0 : i32
      %dma_wait3A_684 = tpu.memref_slice %arg2[%dma_wait3A_682, %dma_wait3A_683] : memref<100000x128xf32, #tpu.memory_space<hbm>> -> memref<128x128xf32, #tpu.memory_space<hbm>>
      %dma_wait3A_685 = tpu.memref_slice %arg8[%dma_wait3A_677] : memref<4x!tpu.dma_semaphore, #tpu.memory_space<semaphore_mem>> -> memref<1x!tpu.dma_semaphore, #tpu.memory_space<semaphore_mem>>
      %dma_wait3A_686 = tpu.memref_squeeze %dma_wait3A_685 : memref<1x!tpu.dma_semaphore, #tpu.memory_space<semaphore_mem>> -> memref<!tpu.dma_semaphore, #tpu.memory_space<semaphore_mem>>
      %dma_wait3A_687 = arith.constant 0 : i32
      %dma_wait3A_688 = arith.constant 0 : i32
      %dma_wait3A_689 = tpu.memref_slice %arg6[%dma_wait3A_676, %dma_wait3A_687, %dma_wait3A_688] : memref<4x128x128xf32, #tpu.memory_space<vmem>> -> memref<1x128x128xf32, #tpu.memory_space<vmem>>
      %dma_wait3A_690 = tpu.memref_squeeze %dma_wait3A_689 : memref<1x128x128xf32, #tpu.memory_space<vmem>> -> memref<128x128xf32, #tpu.memory_space<vmem>>
      %dma_wait3A_691 = arith.constant 0 : i32
      %dma_wait3A_692 = arith.constant 0 : i32
      %dma_wait3A_693 = tpu.memref_slice %arg2[%dma_wait3A_691, %dma_wait3A_692] : memref<100000x128xf32, #tpu.memory_space<hbm>> -> memref<128x128xf32, #tpu.memory_space<hbm>>
      tpu.wait_dma2 semaphore(%dma_wait3A_686 : memref<!tpu.dma_semaphore, #tpu.memory_space<semaphore_mem>>) src(%dma_wait3A_693 : memref<128x128xf32, #tpu.memory_space<hbm>>) dst(%dma_wait3A_690 : memref<128x128xf32, #tpu.memory_space<vmem>>)
      %dma_wait3A_694 = arith.constant 1 : i32
      %dma_wait3A_695 = arith.constant 1 : i32
      %dma_wait3A_696 = tpu.memref_slice %arg10[%dma_wait3A_695] : memref<2x!tpu.dma_semaphore, #tpu.memory_space<semaphore_mem>> -> memref<1x!tpu.dma_semaphore, #tpu.memory_space<semaphore_mem>>
      %dma_wait3A_697 = tpu.memref_squeeze %dma_wait3A_696 : memref<1x!tpu.dma_semaphore, #tpu.memory_space<semaphore_mem>> -> memref<!tpu.dma_semaphore, #tpu.memory_space<semaphore_mem>>
      %dma_wait3A_698 = arith.constant 0 : i32
      %dma_wait3A_699 = arith.constant 0 : i32
      %dma_wait3A_700 = tpu.memref_slice %arg4[%dma_wait3A_698, %dma_wait3A_699] : memref<819200x128xf32, #tpu.memory_space<hbm>> -> memref<128x128xf32, #tpu.memory_space<hbm>>
      %dma_wait3A_701 = arith.constant 0 : i32
      %dma_wait3A_702 = arith.constant 0 : i32
      %dma_wait3A_703 = tpu.memref_slice %arg7[%arg1, %dma_wait3A_694, %dma_wait3A_701, %dma_wait3A_702] : memref<16x2x128x128xf32, #tpu.memory_space<vmem_shared>> -> memref<1x1x128x128xf32, #tpu.memory_space<vmem_shared>>
      %dma_wait3A_704 = tpu.memref_squeeze %dma_wait3A_703 : memref<1x1x128x128xf32, #tpu.memory_space<vmem_shared>> -> memref<128x128xf32, #tpu.memory_space<vmem_shared>>
      tpu.wait_dma2 semaphore(%dma_wait3A_697 : memref<!tpu.dma_semaphore, #tpu.memory_space<semaphore_mem>>) src(%dma_wait3A_704 : memref<128x128xf32, #tpu.memory_space<vmem_shared>>) dst(%dma_wait3A_700 : memref<128x128xf32, #tpu.memory_space<hbm>>)
      %dma_start3A_705 = arith.constant 2 : i32
      %dma_start3A_706 = arith.constant 1 : i32
      %dma_start3A_707 = arith.constant 1 : i32
      %dma_start3A_708 = arith.constant 0 : i32
      %dma_start3A_709 = arith.constant 0 : i32
      %dma_start3A_710 = tpu.memref_slice %arg6[%dma_start3A_705, %dma_start3A_708, %dma_start3A_709] : memref<4x128x128xf32, #tpu.memory_space<vmem>> -> memref<1x128x128xf32, #tpu.memory_space<vmem>>
      %dma_start3A_711 = tpu.memref_squeeze %dma_start3A_710 : memref<1x128x128xf32, #tpu.memory_space<vmem>> -> memref<128x128xf32, #tpu.memory_space<vmem>>
      %dma_start3A_712 = arith.constant 0 : i32
      %dma_start3A_713 = arith.constant 0 : i32
      %dma_start3A_714 = tpu.memref_slice %arg7[%arg1, %dma_start3A_706, %dma_start3A_712, %dma_start3A_713] : memref<16x2x128x128xf32, #tpu.memory_space<vmem_shared>> -> memref<1x1x128x128xf32, #tpu.memory_space<vmem_shared>>
      %dma_start3A_715 = tpu.memref_squeeze %dma_start3A_714 : memref<1x1x128x128xf32, #tpu.memory_space<vmem_shared>> -> memref<128x128xf32, #tpu.memory_space<vmem_shared>>
      %dma_start3A_716 = tpu.memref_slice %arg9[%dma_start3A_707] : memref<2x!tpu.dma_semaphore, #tpu.memory_space<semaphore_mem>> -> memref<1x!tpu.dma_semaphore, #tpu.memory_space<semaphore_mem>>
      %dma_start3A_717 = tpu.memref_squeeze %dma_start3A_716 : memref<1x!tpu.dma_semaphore, #tpu.memory_space<semaphore_mem>> -> memref<!tpu.dma_semaphore, #tpu.memory_space<semaphore_mem>>
      %dma_start3A_718 = arith.constant 0 : i32
      %dma_start3A_719 = arith.constant 0 : i32
      %dma_start3A_720 = tpu.memref_slice %arg7[%arg1, %dma_start3A_706, %dma_start3A_718, %dma_start3A_719] : memref<16x2x128x128xf32, #tpu.memory_space<vmem_shared>> -> memref<1x1x128x128xf32, #tpu.memory_space<vmem_shared>>
      %dma_start3A_721 = tpu.memref_squeeze %dma_start3A_720 : memref<1x1x128x128xf32, #tpu.memory_space<vmem_shared>> -> memref<128x128xf32, #tpu.memory_space<vmem_shared>>
      %dma_start3A_722 = arith.constant 0 : i32
      %dma_start3A_723 = arith.constant 0 : i32
      %dma_start3A_724 = tpu.memref_slice %arg6[%dma_start3A_705, %dma_start3A_722, %dma_start3A_723] : memref<4x128x128xf32, #tpu.memory_space<vmem>> -> memref<1x128x128xf32, #tpu.memory_space<vmem>>
      %dma_start3A_725 = tpu.memref_squeeze %dma_start3A_724 : memref<1x128x128xf32, #tpu.memory_space<vmem>> -> memref<128x128xf32, #tpu.memory_space<vmem>>
      tpu.enqueue_dma source(%dma_start3A_725 : memref<128x128xf32, #tpu.memory_space<vmem>>) target(%dma_start3A_721 : memref<128x128xf32, #tpu.memory_space<vmem_shared>>) target_semaphore(%dma_start3A_717 : memref<!tpu.dma_semaphore, #tpu.memory_space<semaphore_mem>>)
      %dma_wait3A_726 = arith.constant 0 : i32
      %dma_wait3A_727 = arith.constant 0 : i32
      %dma_wait3A_728 = arith.constant 0 : i32
      %dma_wait3A_729 = arith.constant 0 : i32
      %dma_wait3A_730 = tpu.memref_slice %arg6[%dma_wait3A_726, %dma_wait3A_728, %dma_wait3A_729] : memref<4x128x128xf32, #tpu.memory_space<vmem>> -> memref<1x128x128xf32, #tpu.memory_space<vmem>>
      %dma_wait3A_731 = tpu.memref_squeeze %dma_wait3A_730 : memref<1x128x128xf32, #tpu.memory_space<vmem>> -> memref<128x128xf32, #tpu.memory_space<vmem>>
      %dma_wait3A_732 = arith.constant 0 : i32
      %dma_wait3A_733 = arith.constant 0 : i32
      %dma_wait3A_734 = tpu.memref_slice %arg4[%dma_wait3A_732, %dma_wait3A_733] : memref<819200x128xf32, #tpu.memory_space<hbm>> -> memref<128x128xf32, #tpu.memory_space<hbm>>
      %dma_wait3A_735 = tpu.memref_slice %arg11[%dma_wait3A_727] : memref<2x!tpu.dma_semaphore, #tpu.memory_space<semaphore_mem>> -> memref<1x!tpu.dma_semaphore, #tpu.memory_space<semaphore_mem>>
      %dma_wait3A_736 = tpu.memref_squeeze %dma_wait3A_735 : memref<1x!tpu.dma_semaphore, #tpu.memory_space<semaphore_mem>> -> memref<!tpu.dma_semaphore, #tpu.memory_space<semaphore_mem>>
      %dma_wait3A_737 = arith.constant 0 : i32
      %dma_wait3A_738 = arith.constant 0 : i32
      %dma_wait3A_739 = tpu.memref_slice %arg4[%dma_wait3A_737, %dma_wait3A_738] : memref<819200x128xf32, #tpu.memory_space<hbm>> -> memref<128x128xf32, #tpu.memory_space<hbm>>
      %dma_wait3A_740 = arith.constant 0 : i32
      %dma_wait3A_741 = arith.constant 0 : i32
      %dma_wait3A_742 = tpu.memref_slice %arg6[%dma_wait3A_726, %dma_wait3A_740, %dma_wait3A_741] : memref<4x128x128xf32, #tpu.memory_space<vmem>> -> memref<1x128x128xf32, #tpu.memory_space<vmem>>
      %dma_wait3A_743 = tpu.memref_squeeze %dma_wait3A_742 : memref<1x128x128xf32, #tpu.memory_space<vmem>> -> memref<128x128xf32, #tpu.memory_space<vmem>>
      tpu.wait_dma2 semaphore(%dma_wait3A_736 : memref<!tpu.dma_semaphore, #tpu.memory_space<semaphore_mem>>) src(%dma_wait3A_743 : memref<128x128xf32, #tpu.memory_space<vmem>>) dst(%dma_wait3A_739 : memref<128x128xf32, #tpu.memory_space<hbm>>)
      %add3A_744 = arith.constant 1 : i32
      %add3A_745 = arith.addi %add3A_661, %add3A_744 : i32
      %mul3A_746 = arith.constant 128 : i32
      %mul3A_747 = arith.muli %add3A_745, %mul3A_746 : i32
      %dma_start3A_748 = arith.constant 1 : i32
      %dma_start3A_749 = arith.constant 1 : i32
      %dma_start3A_750 = arith.constant 0 : i32
      %dma_start3A_751 = arith.constant 0 : i32
      %dma_start3A_752 = tpu.memref_slice %arg6[%dma_start3A_748, %dma_start3A_750, %dma_start3A_751] : memref<4x128x128xf32, #tpu.memory_space<vmem>> -> memref<1x128x128xf32, #tpu.memory_space<vmem>>
      %dma_start3A_753 = tpu.memref_squeeze %dma_start3A_752 : memref<1x128x128xf32, #tpu.memory_space<vmem>> -> memref<128x128xf32, #tpu.memory_space<vmem>>
      %dma_start3A_754 = tpu.memref_slice %arg5[%mul3A_747] : memref<25600xi32, #tpu.memory_space<vmem>> -> memref<128xi32, #tpu.memory_space<vmem>>
      %dma_start3A_755 = arith.constant 0 : i32
      %dma_start3A_756 = arith.constant 0 : i32
      %dma_start3A_757 = tpu.memref_slice %arg2[%dma_start3A_755, %dma_start3A_756] : memref<100000x128xf32, #tpu.memory_space<hbm>> -> memref<100000x128xf32, #tpu.memory_space<hbm>>
      %dma_start3A_758 = tpu.memref_slice %arg8[%dma_start3A_749] : memref<4x!tpu.dma_semaphore, #tpu.memory_space<semaphore_mem>> -> memref<1x!tpu.dma_semaphore, #tpu.memory_space<semaphore_mem>>
      %dma_start3A_759 = tpu.memref_squeeze %dma_start3A_758 : memref<1x!tpu.dma_semaphore, #tpu.memory_space<semaphore_mem>> -> memref<!tpu.dma_semaphore, #tpu.memory_space<semaphore_mem>>
      tpu.enqueue_indirect_dma source(%dma_start3A_757 : memref<100000x128xf32, #tpu.memory_space<hbm>>) target(%dma_start3A_753 : memref<128x128xf32, #tpu.memory_space<vmem>>) offsets(%dma_start3A_754 : memref<128xi32, #tpu.memory_space<vmem>>) semaphore(%dma_start3A_759 : memref<!tpu.dma_semaphore, #tpu.memory_space<semaphore_mem>>)
      %dma_wait3A_760 = arith.constant 3 : i32
      %dma_wait3A_761 = arith.constant 3 : i32
      %dma_wait3A_762 = arith.constant 0 : i32
      %dma_wait3A_763 = arith.constant 0 : i32
      %dma_wait3A_764 = tpu.memref_slice %arg6[%dma_wait3A_760, %dma_wait3A_762, %dma_wait3A_763] : memref<4x128x128xf32, #tpu.memory_space<vmem>> -> memref<1x128x128xf32, #tpu.memory_space<vmem>>
      %dma_wait3A_765 = tpu.memref_squeeze %dma_wait3A_764 : memref<1x128x128xf32, #tpu.memory_space<vmem>> -> memref<128x128xf32, #tpu.memory_space<vmem>>
      %dma_wait3A_766 = arith.constant 0 : i32
      %dma_wait3A_767 = arith.constant 0 : i32
      %dma_wait3A_768 = tpu.memref_slice %arg2[%dma_wait3A_766, %dma_wait3A_767] : memref<100000x128xf32, #tpu.memory_space<hbm>> -> memref<128x128xf32, #tpu.memory_space<hbm>>
      %dma_wait3A_769 = tpu.memref_slice %arg8[%dma_wait3A_761] : memref<4x!tpu.dma_semaphore, #tpu.memory_space<semaphore_mem>> -> memref<1x!tpu.dma_semaphore, #tpu.memory_space<semaphore_mem>>
      %dma_wait3A_770 = tpu.memref_squeeze %dma_wait3A_769 : memref<1x!tpu.dma_semaphore, #tpu.memory_space<semaphore_mem>> -> memref<!tpu.dma_semaphore, #tpu.memory_space<semaphore_mem>>
      %dma_wait3A_771 = arith.constant 0 : i32
      %dma_wait3A_772 = arith.constant 0 : i32
      %dma_wait3A_773 = tpu.memref_slice %arg6[%dma_wait3A_760, %dma_wait3A_771, %dma_wait3A_772] : memref<4x128x128xf32, #tpu.memory_space<vmem>> -> memref<1x128x128xf32, #tpu.memory_space<vmem>>
      %dma_wait3A_774 = tpu.memref_squeeze %dma_wait3A_773 : memref<1x128x128xf32, #tpu.memory_space<vmem>> -> memref<128x128xf32, #tpu.memory_space<vmem>>
      %dma_wait3A_775 = arith.constant 0 : i32
      %dma_wait3A_776 = arith.constant 0 : i32
      %dma_wait3A_777 = tpu.memref_slice %arg2[%dma_wait3A_775, %dma_wait3A_776] : memref<100000x128xf32, #tpu.memory_space<hbm>> -> memref<128x128xf32, #tpu.memory_space<hbm>>
      tpu.wait_dma2 semaphore(%dma_wait3A_770 : memref<!tpu.dma_semaphore, #tpu.memory_space<semaphore_mem>>) src(%dma_wait3A_777 : memref<128x128xf32, #tpu.memory_space<hbm>>) dst(%dma_wait3A_774 : memref<128x128xf32, #tpu.memory_space<vmem>>)
      %sub3A = arith.constant 1 : i32
      %sub3A_778 = arith.subi %add3A_661, %sub3A : i32
      %mul3A_779 = arith.constant 128 : i32
      %mul3A_780 = arith.muli %sub3A_778, %mul3A_779 : i32
      %add3A_781 = arith.addi %mul3A_2, %mul3A_780 : i32
      %dma_start3A_782 = arith.constant 3 : i32
      %dma_start3A_783 = arith.constant 1 : i32
      %dma_start3A_784 = arith.constant 0 : i32
      %dma_start3A_785 = arith.constant 0 : i32
      %dma_start3A_786 = tpu.memref_slice %arg6[%dma_start3A_782, %dma_start3A_784, %dma_start3A_785] : memref<4x128x128xf32, #tpu.memory_space<vmem>> -> memref<1x128x128xf32, #tpu.memory_space<vmem>>
      %dma_start3A_787 = tpu.memref_squeeze %dma_start3A_786 : memref<1x128x128xf32, #tpu.memory_space<vmem>> -> memref<128x128xf32, #tpu.memory_space<vmem>>
      %dma_start3A_788 = arith.constant 0 : i32
      %dma_start3A_789 = tpu.memref_slice %arg4[%add3A_781, %dma_start3A_788] : memref<819200x128xf32, #tpu.memory_space<hbm>> -> memref<128x128xf32, #tpu.memory_space<hbm>>
      %dma_start3A_790 = tpu.memref_slice %arg11[%dma_start3A_783] : memref<2x!tpu.dma_semaphore, #tpu.memory_space<semaphore_mem>> -> memref<1x!tpu.dma_semaphore, #tpu.memory_space<semaphore_mem>>
      %dma_start3A_791 = tpu.memref_squeeze %dma_start3A_790 : memref<1x!tpu.dma_semaphore, #tpu.memory_space<semaphore_mem>> -> memref<!tpu.dma_semaphore, #tpu.memory_space<semaphore_mem>>
      %dma_start3A_792 = arith.constant 0 : i32
      %dma_start3A_793 = tpu.memref_slice %arg4[%add3A_781, %dma_start3A_792] : memref<819200x128xf32, #tpu.memory_space<hbm>> -> memref<128x128xf32, #tpu.memory_space<hbm>>
      %dma_start3A_794 = arith.constant 0 : i32
      %dma_start3A_795 = arith.constant 0 : i32
      %dma_start3A_796 = tpu.memref_slice %arg6[%dma_start3A_782, %dma_start3A_794, %dma_start3A_795] : memref<4x128x128xf32, #tpu.memory_space<vmem>> -> memref<1x128x128xf32, #tpu.memory_space<vmem>>
      %dma_start3A_797 = tpu.memref_squeeze %dma_start3A_796 : memref<1x128x128xf32, #tpu.memory_space<vmem>> -> memref<128x128xf32, #tpu.memory_space<vmem>>
      tpu.enqueue_dma source(%dma_start3A_797 : memref<128x128xf32, #tpu.memory_space<vmem>>) target(%dma_start3A_793 : memref<128x128xf32, #tpu.memory_space<hbm>>) target_semaphore(%dma_start3A_791 : memref<!tpu.dma_semaphore, #tpu.memory_space<semaphore_mem>>)
      %dma_wait3A_798 = arith.constant 0 : i32
      %dma_wait3A_799 = arith.constant 1 : i32
      %dma_wait3A_800 = arith.constant 1 : i32
      %dma_wait3A_801 = arith.constant 0 : i32
      %dma_wait3A_802 = arith.constant 0 : i32
      %dma_wait3A_803 = tpu.memref_slice %arg6[%dma_wait3A_798, %dma_wait3A_801, %dma_wait3A_802] : memref<4x128x128xf32, #tpu.memory_space<vmem>> -> memref<1x128x128xf32, #tpu.memory_space<vmem>>
      %dma_wait3A_804 = tpu.memref_squeeze %dma_wait3A_803 : memref<1x128x128xf32, #tpu.memory_space<vmem>> -> memref<128x128xf32, #tpu.memory_space<vmem>>
      %dma_wait3A_805 = arith.constant 0 : i32
      %dma_wait3A_806 = arith.constant 0 : i32
      %dma_wait3A_807 = tpu.memref_slice %arg7[%arg1, %dma_wait3A_799, %dma_wait3A_805, %dma_wait3A_806] : memref<16x2x128x128xf32, #tpu.memory_space<vmem_shared>> -> memref<1x1x128x128xf32, #tpu.memory_space<vmem_shared>>
      %dma_wait3A_808 = tpu.memref_squeeze %dma_wait3A_807 : memref<1x1x128x128xf32, #tpu.memory_space<vmem_shared>> -> memref<128x128xf32, #tpu.memory_space<vmem_shared>>
      %dma_wait3A_809 = tpu.memref_slice %arg9[%dma_wait3A_800] : memref<2x!tpu.dma_semaphore, #tpu.memory_space<semaphore_mem>> -> memref<1x!tpu.dma_semaphore, #tpu.memory_space<semaphore_mem>>
      %dma_wait3A_810 = tpu.memref_squeeze %dma_wait3A_809 : memref<1x!tpu.dma_semaphore, #tpu.memory_space<semaphore_mem>> -> memref<!tpu.dma_semaphore, #tpu.memory_space<semaphore_mem>>
      %dma_wait3A_811 = arith.constant 0 : i32
      %dma_wait3A_812 = arith.constant 0 : i32
      %dma_wait3A_813 = tpu.memref_slice %arg7[%arg1, %dma_wait3A_799, %dma_wait3A_811, %dma_wait3A_812] : memref<16x2x128x128xf32, #tpu.memory_space<vmem_shared>> -> memref<1x1x128x128xf32, #tpu.memory_space<vmem_shared>>
      %dma_wait3A_814 = tpu.memref_squeeze %dma_wait3A_813 : memref<1x1x128x128xf32, #tpu.memory_space<vmem_shared>> -> memref<128x128xf32, #tpu.memory_space<vmem_shared>>
      %dma_wait3A_815 = arith.constant 0 : i32
      %dma_wait3A_816 = arith.constant 0 : i32
      %dma_wait3A_817 = tpu.memref_slice %arg6[%dma_wait3A_798, %dma_wait3A_815, %dma_wait3A_816] : memref<4x128x128xf32, #tpu.memory_space<vmem>> -> memref<1x128x128xf32, #tpu.memory_space<vmem>>
      %dma_wait3A_818 = tpu.memref_squeeze %dma_wait3A_817 : memref<1x128x128xf32, #tpu.memory_space<vmem>> -> memref<128x128xf32, #tpu.memory_space<vmem>>
      tpu.wait_dma2 semaphore(%dma_wait3A_810 : memref<!tpu.dma_semaphore, #tpu.memory_space<semaphore_mem>>) src(%dma_wait3A_818 : memref<128x128xf32, #tpu.memory_space<vmem>>) dst(%dma_wait3A_814 : memref<128x128xf32, #tpu.memory_space<vmem_shared>>)
      %sub3A_819 = arith.constant 2 : i32
      %sub3A_820 = arith.subi %add3A_661, %sub3A_819 : i32
      %mul3A_821 = arith.constant 128 : i32
      %mul3A_822 = arith.muli %sub3A_820, %mul3A_821 : i32
      %add3A_823 = arith.addi %mul3A_2, %mul3A_822 : i32
      %dma_start3A_824 = arith.constant 1 : i32
      %dma_start3A_825 = arith.constant 1 : i32
      %dma_start3A_826 = tpu.memref_slice %arg10[%dma_start3A_825] : memref<2x!tpu.dma_semaphore, #tpu.memory_space<semaphore_mem>> -> memref<1x!tpu.dma_semaphore, #tpu.memory_space<semaphore_mem>>
      %dma_start3A_827 = tpu.memref_squeeze %dma_start3A_826 : memref<1x!tpu.dma_semaphore, #tpu.memory_space<semaphore_mem>> -> memref<!tpu.dma_semaphore, #tpu.memory_space<semaphore_mem>>
      %dma_start3A_828 = arith.constant 0 : i32
      %dma_start3A_829 = tpu.memref_slice %arg4[%add3A_823, %dma_start3A_828] : memref<819200x128xf32, #tpu.memory_space<hbm>> -> memref<128x128xf32, #tpu.memory_space<hbm>>
      %dma_start3A_830 = arith.constant 0 : i32
      %dma_start3A_831 = arith.constant 0 : i32
      %dma_start3A_832 = tpu.memref_slice %arg7[%arg1, %dma_start3A_824, %dma_start3A_830, %dma_start3A_831] : memref<16x2x128x128xf32, #tpu.memory_space<vmem_shared>> -> memref<1x1x128x128xf32, #tpu.memory_space<vmem_shared>>
      %dma_start3A_833 = tpu.memref_squeeze %dma_start3A_832 : memref<1x1x128x128xf32, #tpu.memory_space<vmem_shared>> -> memref<128x128xf32, #tpu.memory_space<vmem_shared>>
      tpu.enqueue_dma source(%dma_start3A_833 : memref<128x128xf32, #tpu.memory_space<vmem_shared>>) target(%dma_start3A_829 : memref<128x128xf32, #tpu.memory_space<hbm>>) target_semaphore(%dma_start3A_827 : memref<!tpu.dma_semaphore, #tpu.memory_space<semaphore_mem>>)
      %add3A_834 = arith.constant 2 : i32
      %add3A_835 = arith.addi %add3A_661, %add3A_834 : i32
      %mul3A_836 = arith.constant 128 : i32
      %mul3A_837 = arith.muli %add3A_835, %mul3A_836 : i32
      %dma_start3A_838 = arith.constant 2 : i32
      %dma_start3A_839 = arith.constant 2 : i32
      %dma_start3A_840 = arith.constant 0 : i32
      %dma_start3A_841 = arith.constant 0 : i32
      %dma_start3A_842 = tpu.memref_slice %arg6[%dma_start3A_838, %dma_start3A_840, %dma_start3A_841] : memref<4x128x128xf32, #tpu.memory_space<vmem>> -> memref<1x128x128xf32, #tpu.memory_space<vmem>>
      %dma_start3A_843 = tpu.memref_squeeze %dma_start3A_842 : memref<1x128x128xf32, #tpu.memory_space<vmem>> -> memref<128x128xf32, #tpu.memory_space<vmem>>
      %dma_start3A_844 = tpu.memref_slice %arg5[%mul3A_837] : memref<25600xi32, #tpu.memory_space<vmem>> -> memref<128xi32, #tpu.memory_space<vmem>>
      %dma_start3A_845 = arith.constant 0 : i32
      %dma_start3A_846 = arith.constant 0 : i32
      %dma_start3A_847 = tpu.memref_slice %arg2[%dma_start3A_845, %dma_start3A_846] : memref<100000x128xf32, #tpu.memory_space<hbm>> -> memref<100000x128xf32, #tpu.memory_space<hbm>>
      %dma_start3A_848 = tpu.memref_slice %arg8[%dma_start3A_839] : memref<4x!tpu.dma_semaphore, #tpu.memory_space<semaphore_mem>> -> memref<1x!tpu.dma_semaphore, #tpu.memory_space<semaphore_mem>>
      %dma_start3A_849 = tpu.memref_squeeze %dma_start3A_848 : memref<1x!tpu.dma_semaphore, #tpu.memory_space<semaphore_mem>> -> memref<!tpu.dma_semaphore, #tpu.memory_space<semaphore_mem>>
      tpu.enqueue_indirect_dma source(%dma_start3A_847 : memref<100000x128xf32, #tpu.memory_space<hbm>>) target(%dma_start3A_843 : memref<128x128xf32, #tpu.memory_space<vmem>>) offsets(%dma_start3A_844 : memref<128xi32, #tpu.memory_space<vmem>>) semaphore(%dma_start3A_849 : memref<!tpu.dma_semaphore, #tpu.memory_space<semaphore_mem>>)
      %dma_wait3A_850 = arith.constant 0 : i32
      %dma_wait3A_851 = arith.constant 0 : i32
      %dma_wait3A_852 = arith.constant 0 : i32
      %dma_wait3A_853 = arith.constant 0 : i32
      %dma_wait3A_854 = tpu.memref_slice %arg6[%dma_wait3A_850, %dma_wait3A_852, %dma_wait3A_853] : memref<4x128x128xf32, #tpu.memory_space<vmem>> -> memref<1x128x128xf32, #tpu.memory_space<vmem>>
      %dma_wait3A_855 = tpu.memref_squeeze %dma_wait3A_854 : memref<1x128x128xf32, #tpu.memory_space<vmem>> -> memref<128x128xf32, #tpu.memory_space<vmem>>
      %dma_wait3A_856 = arith.constant 0 : i32
      %dma_wait3A_857 = arith.constant 0 : i32
      %dma_wait3A_858 = tpu.memref_slice %arg2[%dma_wait3A_856, %dma_wait3A_857] : memref<100000x128xf32, #tpu.memory_space<hbm>> -> memref<128x128xf32, #tpu.memory_space<hbm>>
      %dma_wait3A_859 = tpu.memref_slice %arg8[%dma_wait3A_851] : memref<4x!tpu.dma_semaphore, #tpu.memory_space<semaphore_mem>> -> memref<1x!tpu.dma_semaphore, #tpu.memory_space<semaphore_mem>>
      %dma_wait3A_860 = tpu.memref_squeeze %dma_wait3A_859 : memref<1x!tpu.dma_semaphore, #tpu.memory_space<semaphore_mem>> -> memref<!tpu.dma_semaphore, #tpu.memory_space<semaphore_mem>>
      %dma_wait3A_861 = arith.constant 0 : i32
      %dma_wait3A_862 = arith.constant 0 : i32
      %dma_wait3A_863 = tpu.memref_slice %arg6[%dma_wait3A_850, %dma_wait3A_861, %dma_wait3A_862] : memref<4x128x128xf32, #tpu.memory_space<vmem>> -> memref<1x128x128xf32, #tpu.memory_space<vmem>>
      %dma_wait3A_864 = tpu.memref_squeeze %dma_wait3A_863 : memref<1x128x128xf32, #tpu.memory_space<vmem>> -> memref<128x128xf32, #tpu.memory_space<vmem>>
      %dma_wait3A_865 = arith.constant 0 : i32
      %dma_wait3A_866 = arith.constant 0 : i32
      %dma_wait3A_867 = tpu.memref_slice %arg2[%dma_wait3A_865, %dma_wait3A_866] : memref<100000x128xf32, #tpu.memory_space<hbm>> -> memref<128x128xf32, #tpu.memory_space<hbm>>
      tpu.wait_dma2 semaphore(%dma_wait3A_860 : memref<!tpu.dma_semaphore, #tpu.memory_space<semaphore_mem>>) src(%dma_wait3A_867 : memref<128x128xf32, #tpu.memory_space<hbm>>) dst(%dma_wait3A_864 : memref<128x128xf32, #tpu.memory_space<vmem>>)
      %dma_wait3A_868 = arith.constant 0 : i32
      %dma_wait3A_869 = arith.constant 0 : i32
      %dma_wait3A_870 = tpu.memref_slice %arg10[%dma_wait3A_869] : memref<2x!tpu.dma_semaphore, #tpu.memory_space<semaphore_mem>> -> memref<1x!tpu.dma_semaphore, #tpu.memory_space<semaphore_mem>>
      %dma_wait3A_871 = tpu.memref_squeeze %dma_wait3A_870 : memref<1x!tpu.dma_semaphore, #tpu.memory_space<semaphore_mem>> -> memref<!tpu.dma_semaphore, #tpu.memory_space<semaphore_mem>>
      %dma_wait3A_872 = arith.constant 0 : i32
      %dma_wait3A_873 = arith.constant 0 : i32
      %dma_wait3A_874 = tpu.memref_slice %arg4[%dma_wait3A_872, %dma_wait3A_873] : memref<819200x128xf32, #tpu.memory_space<hbm>> -> memref<128x128xf32, #tpu.memory_space<hbm>>
      %dma_wait3A_875 = arith.constant 0 : i32
      %dma_wait3A_876 = arith.constant 0 : i32
      %dma_wait3A_877 = tpu.memref_slice %arg7[%arg1, %dma_wait3A_868, %dma_wait3A_875, %dma_wait3A_876] : memref<16x2x128x128xf32, #tpu.memory_space<vmem_shared>> -> memref<1x1x128x128xf32, #tpu.memory_space<vmem_shared>>
      %dma_wait3A_878 = tpu.memref_squeeze %dma_wait3A_877 : memref<1x1x128x128xf32, #tpu.memory_space<vmem_shared>> -> memref<128x128xf32, #tpu.memory_space<vmem_shared>>
      tpu.wait_dma2 semaphore(%dma_wait3A_871 : memref<!tpu.dma_semaphore, #tpu.memory_space<semaphore_mem>>) src(%dma_wait3A_878 : memref<128x128xf32, #tpu.memory_space<vmem_shared>>) dst(%dma_wait3A_874 : memref<128x128xf32, #tpu.memory_space<hbm>>)
      %dma_start3A_879 = arith.constant 0 : i32
      %dma_start3A_880 = arith.constant 0 : i32
      %dma_start3A_881 = arith.constant 0 : i32
      %dma_start3A_882 = arith.constant 0 : i32
      %dma_start3A_883 = arith.constant 0 : i32
      %dma_start3A_884 = tpu.memref_slice %arg6[%dma_start3A_879, %dma_start3A_882, %dma_start3A_883] : memref<4x128x128xf32, #tpu.memory_space<vmem>> -> memref<1x128x128xf32, #tpu.memory_space<vmem>>
      %dma_start3A_885 = tpu.memref_squeeze %dma_start3A_884 : memref<1x128x128xf32, #tpu.memory_space<vmem>> -> memref<128x128xf32, #tpu.memory_space<vmem>>
      %dma_start3A_886 = arith.constant 0 : i32
      %dma_start3A_887 = arith.constant 0 : i32
      %dma_start3A_888 = tpu.memref_slice %arg7[%arg1, %dma_start3A_880, %dma_start3A_886, %dma_start3A_887] : memref<16x2x128x128xf32, #tpu.memory_space<vmem_shared>> -> memref<1x1x128x128xf32, #tpu.memory_space<vmem_shared>>
      %dma_start3A_889 = tpu.memref_squeeze %dma_start3A_888 : memref<1x1x128x128xf32, #tpu.memory_space<vmem_shared>> -> memref<128x128xf32, #tpu.memory_space<vmem_shared>>
      %dma_start3A_890 = tpu.memref_slice %arg9[%dma_start3A_881] : memref<2x!tpu.dma_semaphore, #tpu.memory_space<semaphore_mem>> -> memref<1x!tpu.dma_semaphore, #tpu.memory_space<semaphore_mem>>
      %dma_start3A_891 = tpu.memref_squeeze %dma_start3A_890 : memref<1x!tpu.dma_semaphore, #tpu.memory_space<semaphore_mem>> -> memref<!tpu.dma_semaphore, #tpu.memory_space<semaphore_mem>>
      %dma_start3A_892 = arith.constant 0 : i32
      %dma_start3A_893 = arith.constant 0 : i32
      %dma_start3A_894 = tpu.memref_slice %arg7[%arg1, %dma_start3A_880, %dma_start3A_892, %dma_start3A_893] : memref<16x2x128x128xf32, #tpu.memory_space<vmem_shared>> -> memref<1x1x128x128xf32, #tpu.memory_space<vmem_shared>>
      %dma_start3A_895 = tpu.memref_squeeze %dma_start3A_894 : memref<1x1x128x128xf32, #tpu.memory_space<vmem_shared>> -> memref<128x128xf32, #tpu.memory_space<vmem_shared>>
      %dma_start3A_896 = arith.constant 0 : i32
      %dma_start3A_897 = arith.constant 0 : i32
      %dma_start3A_898 = tpu.memref_slice %arg6[%dma_start3A_879, %dma_start3A_896, %dma_start3A_897] : memref<4x128x128xf32, #tpu.memory_space<vmem>> -> memref<1x128x128xf32, #tpu.memory_space<vmem>>
      %dma_start3A_899 = tpu.memref_squeeze %dma_start3A_898 : memref<1x128x128xf32, #tpu.memory_space<vmem>> -> memref<128x128xf32, #tpu.memory_space<vmem>>
      tpu.enqueue_dma source(%dma_start3A_899 : memref<128x128xf32, #tpu.memory_space<vmem>>) target(%dma_start3A_895 : memref<128x128xf32, #tpu.memory_space<vmem_shared>>) target_semaphore(%dma_start3A_891 : memref<!tpu.dma_semaphore, #tpu.memory_space<semaphore_mem>>)
      %dma_wait3A_900 = arith.constant 0 : i32
      %dma_wait3A_901 = arith.constant 1 : i32
      %dma_wait3A_902 = arith.constant 0 : i32
      %dma_wait3A_903 = arith.constant 0 : i32
      %dma_wait3A_904 = tpu.memref_slice %arg6[%dma_wait3A_900, %dma_wait3A_902, %dma_wait3A_903] : memref<4x128x128xf32, #tpu.memory_space<vmem>> -> memref<1x128x128xf32, #tpu.memory_space<vmem>>
      %dma_wait3A_905 = tpu.memref_squeeze %dma_wait3A_904 : memref<1x128x128xf32, #tpu.memory_space<vmem>> -> memref<128x128xf32, #tpu.memory_space<vmem>>
      %dma_wait3A_906 = arith.constant 0 : i32
      %dma_wait3A_907 = arith.constant 0 : i32
      %dma_wait3A_908 = tpu.memref_slice %arg4[%dma_wait3A_906, %dma_wait3A_907] : memref<819200x128xf32, #tpu.memory_space<hbm>> -> memref<128x128xf32, #tpu.memory_space<hbm>>
      %dma_wait3A_909 = tpu.memref_slice %arg11[%dma_wait3A_901] : memref<2x!tpu.dma_semaphore, #tpu.memory_space<semaphore_mem>> -> memref<1x!tpu.dma_semaphore, #tpu.memory_space<semaphore_mem>>
      %dma_wait3A_910 = tpu.memref_squeeze %dma_wait3A_909 : memref<1x!tpu.dma_semaphore, #tpu.memory_space<semaphore_mem>> -> memref<!tpu.dma_semaphore, #tpu.memory_space<semaphore_mem>>
      %dma_wait3A_911 = arith.constant 0 : i32
      %dma_wait3A_912 = arith.constant 0 : i32
      %dma_wait3A_913 = tpu.memref_slice %arg4[%dma_wait3A_911, %dma_wait3A_912] : memref<819200x128xf32, #tpu.memory_space<hbm>> -> memref<128x128xf32, #tpu.memory_space<hbm>>
      %dma_wait3A_914 = arith.constant 0 : i32
      %dma_wait3A_915 = arith.constant 0 : i32
      %dma_wait3A_916 = tpu.memref_slice %arg6[%dma_wait3A_900, %dma_wait3A_914, %dma_wait3A_915] : memref<4x128x128xf32, #tpu.memory_space<vmem>> -> memref<1x128x128xf32, #tpu.memory_space<vmem>>
      %dma_wait3A_917 = tpu.memref_squeeze %dma_wait3A_916 : memref<1x128x128xf32, #tpu.memory_space<vmem>> -> memref<128x128xf32, #tpu.memory_space<vmem>>
      tpu.wait_dma2 semaphore(%dma_wait3A_910 : memref<!tpu.dma_semaphore, #tpu.memory_space<semaphore_mem>>) src(%dma_wait3A_917 : memref<128x128xf32, #tpu.memory_space<vmem>>) dst(%dma_wait3A_913 : memref<128x128xf32, #tpu.memory_space<hbm>>)
      %add3A_918 = arith.constant 3 : i32
      %add3A_919 = arith.addi %add3A_661, %add3A_918 : i32
      %mul3A_920 = arith.constant 128 : i32
      %mul3A_921 = arith.muli %add3A_919, %mul3A_920 : i32
      %dma_start3A_922 = arith.constant 3 : i32
      %dma_start3A_923 = arith.constant 3 : i32
      %dma_start3A_924 = arith.constant 0 : i32
      %dma_start3A_925 = arith.constant 0 : i32
      %dma_start3A_926 = tpu.memref_slice %arg6[%dma_start3A_922, %dma_start3A_924, %dma_start3A_925] : memref<4x128x128xf32, #tpu.memory_space<vmem>> -> memref<1x128x128xf32, #tpu.memory_space<vmem>>
      %dma_start3A_927 = tpu.memref_squeeze %dma_start3A_926 : memref<1x128x128xf32, #tpu.memory_space<vmem>> -> memref<128x128xf32, #tpu.memory_space<vmem>>
      %dma_start3A_928 = tpu.memref_slice %arg5[%mul3A_921] : memref<25600xi32, #tpu.memory_space<vmem>> -> memref<128xi32, #tpu.memory_space<vmem>>
      %dma_start3A_929 = arith.constant 0 : i32
      %dma_start3A_930 = arith.constant 0 : i32
      %dma_start3A_931 = tpu.memref_slice %arg2[%dma_start3A_929, %dma_start3A_930] : memref<100000x128xf32, #tpu.memory_space<hbm>> -> memref<100000x128xf32, #tpu.memory_space<hbm>>
      %dma_start3A_932 = tpu.memref_slice %arg8[%dma_start3A_923] : memref<4x!tpu.dma_semaphore, #tpu.memory_space<semaphore_mem>> -> memref<1x!tpu.dma_semaphore, #tpu.memory_space<semaphore_mem>>
      %dma_start3A_933 = tpu.memref_squeeze %dma_start3A_932 : memref<1x!tpu.dma_semaphore, #tpu.memory_space<semaphore_mem>> -> memref<!tpu.dma_semaphore, #tpu.memory_space<semaphore_mem>>
      tpu.enqueue_indirect_dma source(%dma_start3A_931 : memref<100000x128xf32, #tpu.memory_space<hbm>>) target(%dma_start3A_927 : memref<128x128xf32, #tpu.memory_space<vmem>>) offsets(%dma_start3A_928 : memref<128xi32, #tpu.memory_space<vmem>>) semaphore(%dma_start3A_933 : memref<!tpu.dma_semaphore, #tpu.memory_space<semaphore_mem>>)
      %dma_wait3A_934 = arith.constant 1 : i32
      %dma_wait3A_935 = arith.constant 1 : i32
      %dma_wait3A_936 = arith.constant 0 : i32
      %dma_wait3A_937 = arith.constant 0 : i32
      %dma_wait3A_938 = tpu.memref_slice %arg6[%dma_wait3A_934, %dma_wait3A_936, %dma_wait3A_937] : memref<4x128x128xf32, #tpu.memory_space<vmem>> -> memref<1x128x128xf32, #tpu.memory_space<vmem>>
      %dma_wait3A_939 = tpu.memref_squeeze %dma_wait3A_938 : memref<1x128x128xf32, #tpu.memory_space<vmem>> -> memref<128x128xf32, #tpu.memory_space<vmem>>
      %dma_wait3A_940 = arith.constant 0 : i32
      %dma_wait3A_941 = arith.constant 0 : i32
      %dma_wait3A_942 = tpu.memref_slice %arg2[%dma_wait3A_940, %dma_wait3A_941] : memref<100000x128xf32, #tpu.memory_space<hbm>> -> memref<128x128xf32, #tpu.memory_space<hbm>>
      %dma_wait3A_943 = tpu.memref_slice %arg8[%dma_wait3A_935] : memref<4x!tpu.dma_semaphore, #tpu.memory_space<semaphore_mem>> -> memref<1x!tpu.dma_semaphore, #tpu.memory_space<semaphore_mem>>
      %dma_wait3A_944 = tpu.memref_squeeze %dma_wait3A_943 : memref<1x!tpu.dma_semaphore, #tpu.memory_space<semaphore_mem>> -> memref<!tpu.dma_semaphore, #tpu.memory_space<semaphore_mem>>
      %dma_wait3A_945 = arith.constant 0 : i32
      %dma_wait3A_946 = arith.constant 0 : i32
      %dma_wait3A_947 = tpu.memref_slice %arg6[%dma_wait3A_934, %dma_wait3A_945, %dma_wait3A_946] : memref<4x128x128xf32, #tpu.memory_space<vmem>> -> memref<1x128x128xf32, #tpu.memory_space<vmem>>
      %dma_wait3A_948 = tpu.memref_squeeze %dma_wait3A_947 : memref<1x128x128xf32, #tpu.memory_space<vmem>> -> memref<128x128xf32, #tpu.memory_space<vmem>>
      %dma_wait3A_949 = arith.constant 0 : i32
      %dma_wait3A_950 = arith.constant 0 : i32
      %dma_wait3A_951 = tpu.memref_slice %arg2[%dma_wait3A_949, %dma_wait3A_950] : memref<100000x128xf32, #tpu.memory_space<hbm>> -> memref<128x128xf32, #tpu.memory_space<hbm>>
      tpu.wait_dma2 semaphore(%dma_wait3A_944 : memref<!tpu.dma_semaphore, #tpu.memory_space<semaphore_mem>>) src(%dma_wait3A_951 : memref<128x128xf32, #tpu.memory_space<hbm>>) dst(%dma_wait3A_948 : memref<128x128xf32, #tpu.memory_space<vmem>>)
      %add3A_952 = arith.constant 1 : i32
      %add3A_953 = arith.addi %add3A_661, %add3A_952 : i32
      %mul3A_954 = arith.constant 128 : i32
      %mul3A_955 = arith.muli %add3A_953, %mul3A_954 : i32
      %add3A_956 = arith.addi %mul3A_2, %mul3A_955 : i32
      %dma_start3A_957 = arith.constant 1 : i32
      %dma_start3A_958 = arith.constant 0 : i32
      %dma_start3A_959 = arith.constant 0 : i32
      %dma_start3A_960 = arith.constant 0 : i32
      %dma_start3A_961 = tpu.memref_slice %arg6[%dma_start3A_957, %dma_start3A_959, %dma_start3A_960] : memref<4x128x128xf32, #tpu.memory_space<vmem>> -> memref<1x128x128xf32, #tpu.memory_space<vmem>>
      %dma_start3A_962 = tpu.memref_squeeze %dma_start3A_961 : memref<1x128x128xf32, #tpu.memory_space<vmem>> -> memref<128x128xf32, #tpu.memory_space<vmem>>
      %dma_start3A_963 = arith.constant 0 : i32
      %dma_start3A_964 = tpu.memref_slice %arg4[%add3A_956, %dma_start3A_963] : memref<819200x128xf32, #tpu.memory_space<hbm>> -> memref<128x128xf32, #tpu.memory_space<hbm>>
      %dma_start3A_965 = tpu.memref_slice %arg11[%dma_start3A_958] : memref<2x!tpu.dma_semaphore, #tpu.memory_space<semaphore_mem>> -> memref<1x!tpu.dma_semaphore, #tpu.memory_space<semaphore_mem>>
      %dma_start3A_966 = tpu.memref_squeeze %dma_start3A_965 : memref<1x!tpu.dma_semaphore, #tpu.memory_space<semaphore_mem>> -> memref<!tpu.dma_semaphore, #tpu.memory_space<semaphore_mem>>
      %dma_start3A_967 = arith.constant 0 : i32
      %dma_start3A_968 = tpu.memref_slice %arg4[%add3A_956, %dma_start3A_967] : memref<819200x128xf32, #tpu.memory_space<hbm>> -> memref<128x128xf32, #tpu.memory_space<hbm>>
      %dma_start3A_969 = arith.constant 0 : i32
      %dma_start3A_970 = arith.constant 0 : i32
      %dma_start3A_971 = tpu.memref_slice %arg6[%dma_start3A_957, %dma_start3A_969, %dma_start3A_970] : memref<4x128x128xf32, #tpu.memory_space<vmem>> -> memref<1x128x128xf32, #tpu.memory_space<vmem>>
      %dma_start3A_972 = tpu.memref_squeeze %dma_start3A_971 : memref<1x128x128xf32, #tpu.memory_space<vmem>> -> memref<128x128xf32, #tpu.memory_space<vmem>>
      tpu.enqueue_dma source(%dma_start3A_972 : memref<128x128xf32, #tpu.memory_space<vmem>>) target(%dma_start3A_968 : memref<128x128xf32, #tpu.memory_space<hbm>>) target_semaphore(%dma_start3A_966 : memref<!tpu.dma_semaphore, #tpu.memory_space<semaphore_mem>>)
      %dma_wait3A_973 = arith.constant 0 : i32
      %dma_wait3A_974 = arith.constant 0 : i32
      %dma_wait3A_975 = arith.constant 0 : i32
      %dma_wait3A_976 = arith.constant 0 : i32
      %dma_wait3A_977 = arith.constant 0 : i32
      %dma_wait3A_978 = tpu.memref_slice %arg6[%dma_wait3A_973, %dma_wait3A_976, %dma_wait3A_977] : memref<4x128x128xf32, #tpu.memory_space<vmem>> -> memref<1x128x128xf32, #tpu.memory_space<vmem>>
      %dma_wait3A_979 = tpu.memref_squeeze %dma_wait3A_978 : memref<1x128x128xf32, #tpu.memory_space<vmem>> -> memref<128x128xf32, #tpu.memory_space<vmem>>
      %dma_wait3A_980 = arith.constant 0 : i32
      %dma_wait3A_981 = arith.constant 0 : i32
      %dma_wait3A_982 = tpu.memref_slice %arg7[%arg1, %dma_wait3A_974, %dma_wait3A_980, %dma_wait3A_981] : memref<16x2x128x128xf32, #tpu.memory_space<vmem_shared>> -> memref<1x1x128x128xf32, #tpu.memory_space<vmem_shared>>
      %dma_wait3A_983 = tpu.memref_squeeze %dma_wait3A_982 : memref<1x1x128x128xf32, #tpu.memory_space<vmem_shared>> -> memref<128x128xf32, #tpu.memory_space<vmem_shared>>
      %dma_wait3A_984 = tpu.memref_slice %arg9[%dma_wait3A_975] : memref<2x!tpu.dma_semaphore, #tpu.memory_space<semaphore_mem>> -> memref<1x!tpu.dma_semaphore, #tpu.memory_space<semaphore_mem>>
      %dma_wait3A_985 = tpu.memref_squeeze %dma_wait3A_984 : memref<1x!tpu.dma_semaphore, #tpu.memory_space<semaphore_mem>> -> memref<!tpu.dma_semaphore, #tpu.memory_space<semaphore_mem>>
      %dma_wait3A_986 = arith.constant 0 : i32
      %dma_wait3A_987 = arith.constant 0 : i32
      %dma_wait3A_988 = tpu.memref_slice %arg7[%arg1, %dma_wait3A_974, %dma_wait3A_986, %dma_wait3A_987] : memref<16x2x128x128xf32, #tpu.memory_space<vmem_shared>> -> memref<1x1x128x128xf32, #tpu.memory_space<vmem_shared>>
      %dma_wait3A_989 = tpu.memref_squeeze %dma_wait3A_988 : memref<1x1x128x128xf32, #tpu.memory_space<vmem_shared>> -> memref<128x128xf32, #tpu.memory_space<vmem_shared>>
      %dma_wait3A_990 = arith.constant 0 : i32
      %dma_wait3A_991 = arith.constant 0 : i32
      %dma_wait3A_992 = tpu.memref_slice %arg6[%dma_wait3A_973, %dma_wait3A_990, %dma_wait3A_991] : memref<4x128x128xf32, #tpu.memory_space<vmem>> -> memref<1x128x128xf32, #tpu.memory_space<vmem>>
      %dma_wait3A_993 = tpu.memref_squeeze %dma_wait3A_992 : memref<1x128x128xf32, #tpu.memory_space<vmem>> -> memref<128x128xf32, #tpu.memory_space<vmem>>
      tpu.wait_dma2 semaphore(%dma_wait3A_985 : memref<!tpu.dma_semaphore, #tpu.memory_space<semaphore_mem>>) src(%dma_wait3A_993 : memref<128x128xf32, #tpu.memory_space<vmem>>) dst(%dma_wait3A_989 : memref<128x128xf32, #tpu.memory_space<vmem_shared>>)
      %mul3A_994 = arith.constant 128 : i32
      %mul3A_995 = arith.muli %add3A_661, %mul3A_994 : i32
      %add3A_996 = arith.addi %mul3A_2, %mul3A_995 : i32
      %dma_start3A_997 = arith.constant 0 : i32
      %dma_start3A_998 = arith.constant 0 : i32
      %dma_start3A_999 = tpu.memref_slice %arg10[%dma_start3A_998] : memref<2x!tpu.dma_semaphore, #tpu.memory_space<semaphore_mem>> -> memref<1x!tpu.dma_semaphore, #tpu.memory_space<semaphore_mem>>
      %dma_start3A_1000 = tpu.memref_squeeze %dma_start3A_999 : memref<1x!tpu.dma_semaphore, #tpu.memory_space<semaphore_mem>> -> memref<!tpu.dma_semaphore, #tpu.memory_space<semaphore_mem>>
      %dma_start3A_1001 = arith.constant 0 : i32
      %dma_start3A_1002 = tpu.memref_slice %arg4[%add3A_996, %dma_start3A_1001] : memref<819200x128xf32, #tpu.memory_space<hbm>> -> memref<128x128xf32, #tpu.memory_space<hbm>>
      %dma_start3A_1003 = arith.constant 0 : i32
      %dma_start3A_1004 = arith.constant 0 : i32
      %dma_start3A_1005 = tpu.memref_slice %arg7[%arg1, %dma_start3A_997, %dma_start3A_1003, %dma_start3A_1004] : memref<16x2x128x128xf32, #tpu.memory_space<vmem_shared>> -> memref<1x1x128x128xf32, #tpu.memory_space<vmem_shared>>
      %dma_start3A_1006 = tpu.memref_squeeze %dma_start3A_1005 : memref<1x1x128x128xf32, #tpu.memory_space<vmem_shared>> -> memref<128x128xf32, #tpu.memory_space<vmem_shared>>
      tpu.enqueue_dma source(%dma_start3A_1006 : memref<128x128xf32, #tpu.memory_space<vmem_shared>>) target(%dma_start3A_1002 : memref<128x128xf32, #tpu.memory_space<hbm>>) target_semaphore(%dma_start3A_1000 : memref<!tpu.dma_semaphore, #tpu.memory_space<semaphore_mem>>)
    }
    %scan3A_479 = arith.constant 48 : i32
    %dma_wait3A_480 = arith.constant 2 : i32
    %dma_wait3A_481 = arith.constant 2 : i32
    %dma_wait3A_482 = arith.constant 0 : i32
    %dma_wait3A_483 = arith.constant 0 : i32
    %dma_wait3A_484 = tpu.memref_slice %arg6[%dma_wait3A_480, %dma_wait3A_482, %dma_wait3A_483] : memref<4x128x128xf32, #tpu.memory_space<vmem>> -> memref<1x128x128xf32, #tpu.memory_space<vmem>>
    %dma_wait3A_485 = tpu.memref_squeeze %dma_wait3A_484 : memref<1x128x128xf32, #tpu.memory_space<vmem>> -> memref<128x128xf32, #tpu.memory_space<vmem>>
    %dma_wait3A_486 = arith.constant 0 : i32
    %dma_wait3A_487 = arith.constant 0 : i32
    %dma_wait3A_488 = tpu.memref_slice %arg2[%dma_wait3A_486, %dma_wait3A_487] : memref<100000x128xf32, #tpu.memory_space<hbm>> -> memref<128x128xf32, #tpu.memory_space<hbm>>
    %dma_wait3A_489 = tpu.memref_slice %arg8[%dma_wait3A_481] : memref<4x!tpu.dma_semaphore, #tpu.memory_space<semaphore_mem>> -> memref<1x!tpu.dma_semaphore, #tpu.memory_space<semaphore_mem>>
    %dma_wait3A_490 = tpu.memref_squeeze %dma_wait3A_489 : memref<1x!tpu.dma_semaphore, #tpu.memory_space<semaphore_mem>> -> memref<!tpu.dma_semaphore, #tpu.memory_space<semaphore_mem>>
    %dma_wait3A_491 = arith.constant 0 : i32
    %dma_wait3A_492 = arith.constant 0 : i32
    %dma_wait3A_493 = tpu.memref_slice %arg6[%dma_wait3A_480, %dma_wait3A_491, %dma_wait3A_492] : memref<4x128x128xf32, #tpu.memory_space<vmem>> -> memref<1x128x128xf32, #tpu.memory_space<vmem>>
    %dma_wait3A_494 = tpu.memref_squeeze %dma_wait3A_493 : memref<1x128x128xf32, #tpu.memory_space<vmem>> -> memref<128x128xf32, #tpu.memory_space<vmem>>
    %dma_wait3A_495 = arith.constant 0 : i32
    %dma_wait3A_496 = arith.constant 0 : i32
    %dma_wait3A_497 = tpu.memref_slice %arg2[%dma_wait3A_495, %dma_wait3A_496] : memref<100000x128xf32, #tpu.memory_space<hbm>> -> memref<128x128xf32, #tpu.memory_space<hbm>>
    tpu.wait_dma2 semaphore(%dma_wait3A_490 : memref<!tpu.dma_semaphore, #tpu.memory_space<semaphore_mem>>) src(%dma_wait3A_497 : memref<128x128xf32, #tpu.memory_space<hbm>>) dst(%dma_wait3A_494 : memref<128x128xf32, #tpu.memory_space<vmem>>)
    %dma_wait3A_498 = arith.constant 1 : i32
    %dma_wait3A_499 = arith.constant 1 : i32
    %dma_wait3A_500 = tpu.memref_slice %arg10[%dma_wait3A_499] : memref<2x!tpu.dma_semaphore, #tpu.memory_space<semaphore_mem>> -> memref<1x!tpu.dma_semaphore, #tpu.memory_space<semaphore_mem>>
    %dma_wait3A_501 = tpu.memref_squeeze %dma_wait3A_500 : memref<1x!tpu.dma_semaphore, #tpu.memory_space<semaphore_mem>> -> memref<!tpu.dma_semaphore, #tpu.memory_space<semaphore_mem>>
    %dma_wait3A_502 = arith.constant 0 : i32
    %dma_wait3A_503 = arith.constant 0 : i32
    %dma_wait3A_504 = tpu.memref_slice %arg4[%dma_wait3A_502, %dma_wait3A_503] : memref<819200x128xf32, #tpu.memory_space<hbm>> -> memref<128x128xf32, #tpu.memory_space<hbm>>
    %dma_wait3A_505 = arith.constant 0 : i32
    %dma_wait3A_506 = arith.constant 0 : i32
    %dma_wait3A_507 = tpu.memref_slice %arg7[%arg1, %dma_wait3A_498, %dma_wait3A_505, %dma_wait3A_506] : memref<16x2x128x128xf32, #tpu.memory_space<vmem_shared>> -> memref<1x1x128x128xf32, #tpu.memory_space<vmem_shared>>
    %dma_wait3A_508 = tpu.memref_squeeze %dma_wait3A_507 : memref<1x1x128x128xf32, #tpu.memory_space<vmem_shared>> -> memref<128x128xf32, #tpu.memory_space<vmem_shared>>
    tpu.wait_dma2 semaphore(%dma_wait3A_501 : memref<!tpu.dma_semaphore, #tpu.memory_space<semaphore_mem>>) src(%dma_wait3A_508 : memref<128x128xf32, #tpu.memory_space<vmem_shared>>) dst(%dma_wait3A_504 : memref<128x128xf32, #tpu.memory_space<hbm>>)
    %dma_start3A_509 = arith.constant 2 : i32
    %dma_start3A_510 = arith.constant 1 : i32
    %dma_start3A_511 = arith.constant 1 : i32
    %dma_start3A_512 = arith.constant 0 : i32
    %dma_start3A_513 = arith.constant 0 : i32
    %dma_start3A_514 = tpu.memref_slice %arg6[%dma_start3A_509, %dma_start3A_512, %dma_start3A_513] : memref<4x128x128xf32, #tpu.memory_space<vmem>> -> memref<1x128x128xf32, #tpu.memory_space<vmem>>
    %dma_start3A_515 = tpu.memref_squeeze %dma_start3A_514 : memref<1x128x128xf32, #tpu.memory_space<vmem>> -> memref<128x128xf32, #tpu.memory_space<vmem>>
    %dma_start3A_516 = arith.constant 0 : i32
    %dma_start3A_517 = arith.constant 0 : i32
    %dma_start3A_518 = tpu.memref_slice %arg7[%arg1, %dma_start3A_510, %dma_start3A_516, %dma_start3A_517] : memref<16x2x128x128xf32, #tpu.memory_space<vmem_shared>> -> memref<1x1x128x128xf32, #tpu.memory_space<vmem_shared>>
    %dma_start3A_519 = tpu.memref_squeeze %dma_start3A_518 : memref<1x1x128x128xf32, #tpu.memory_space<vmem_shared>> -> memref<128x128xf32, #tpu.memory_space<vmem_shared>>
    %dma_start3A_520 = tpu.memref_slice %arg9[%dma_start3A_511] : memref<2x!tpu.dma_semaphore, #tpu.memory_space<semaphore_mem>> -> memref<1x!tpu.dma_semaphore, #tpu.memory_space<semaphore_mem>>
    %dma_start3A_521 = tpu.memref_squeeze %dma_start3A_520 : memref<1x!tpu.dma_semaphore, #tpu.memory_space<semaphore_mem>> -> memref<!tpu.dma_semaphore, #tpu.memory_space<semaphore_mem>>
    %dma_start3A_522 = arith.constant 0 : i32
    %dma_start3A_523 = arith.constant 0 : i32
    %dma_start3A_524 = tpu.memref_slice %arg7[%arg1, %dma_start3A_510, %dma_start3A_522, %dma_start3A_523] : memref<16x2x128x128xf32, #tpu.memory_space<vmem_shared>> -> memref<1x1x128x128xf32, #tpu.memory_space<vmem_shared>>
    %dma_start3A_525 = tpu.memref_squeeze %dma_start3A_524 : memref<1x1x128x128xf32, #tpu.memory_space<vmem_shared>> -> memref<128x128xf32, #tpu.memory_space<vmem_shared>>
    %dma_start3A_526 = arith.constant 0 : i32
    %dma_start3A_527 = arith.constant 0 : i32
    %dma_start3A_528 = tpu.memref_slice %arg6[%dma_start3A_509, %dma_start3A_526, %dma_start3A_527] : memref<4x128x128xf32, #tpu.memory_space<vmem>> -> memref<1x128x128xf32, #tpu.memory_space<vmem>>
    %dma_start3A_529 = tpu.memref_squeeze %dma_start3A_528 : memref<1x128x128xf32, #tpu.memory_space<vmem>> -> memref<128x128xf32, #tpu.memory_space<vmem>>
    tpu.enqueue_dma source(%dma_start3A_529 : memref<128x128xf32, #tpu.memory_space<vmem>>) target(%dma_start3A_525 : memref<128x128xf32, #tpu.memory_space<vmem_shared>>) target_semaphore(%dma_start3A_521 : memref<!tpu.dma_semaphore, #tpu.memory_space<semaphore_mem>>)
    %dma_wait3A_530 = arith.constant 3 : i32
    %dma_wait3A_531 = arith.constant 3 : i32
    %dma_wait3A_532 = arith.constant 0 : i32
    %dma_wait3A_533 = arith.constant 0 : i32
    %dma_wait3A_534 = tpu.memref_slice %arg6[%dma_wait3A_530, %dma_wait3A_532, %dma_wait3A_533] : memref<4x128x128xf32, #tpu.memory_space<vmem>> -> memref<1x128x128xf32, #tpu.memory_space<vmem>>
    %dma_wait3A_535 = tpu.memref_squeeze %dma_wait3A_534 : memref<1x128x128xf32, #tpu.memory_space<vmem>> -> memref<128x128xf32, #tpu.memory_space<vmem>>
    %dma_wait3A_536 = arith.constant 0 : i32
    %dma_wait3A_537 = arith.constant 0 : i32
    %dma_wait3A_538 = tpu.memref_slice %arg2[%dma_wait3A_536, %dma_wait3A_537] : memref<100000x128xf32, #tpu.memory_space<hbm>> -> memref<128x128xf32, #tpu.memory_space<hbm>>
    %dma_wait3A_539 = tpu.memref_slice %arg8[%dma_wait3A_531] : memref<4x!tpu.dma_semaphore, #tpu.memory_space<semaphore_mem>> -> memref<1x!tpu.dma_semaphore, #tpu.memory_space<semaphore_mem>>
    %dma_wait3A_540 = tpu.memref_squeeze %dma_wait3A_539 : memref<1x!tpu.dma_semaphore, #tpu.memory_space<semaphore_mem>> -> memref<!tpu.dma_semaphore, #tpu.memory_space<semaphore_mem>>
    %dma_wait3A_541 = arith.constant 0 : i32
    %dma_wait3A_542 = arith.constant 0 : i32
    %dma_wait3A_543 = tpu.memref_slice %arg6[%dma_wait3A_530, %dma_wait3A_541, %dma_wait3A_542] : memref<4x128x128xf32, #tpu.memory_space<vmem>> -> memref<1x128x128xf32, #tpu.memory_space<vmem>>
    %dma_wait3A_544 = tpu.memref_squeeze %dma_wait3A_543 : memref<1x128x128xf32, #tpu.memory_space<vmem>> -> memref<128x128xf32, #tpu.memory_space<vmem>>
    %dma_wait3A_545 = arith.constant 0 : i32
    %dma_wait3A_546 = arith.constant 0 : i32
    %dma_wait3A_547 = tpu.memref_slice %arg2[%dma_wait3A_545, %dma_wait3A_546] : memref<100000x128xf32, #tpu.memory_space<hbm>> -> memref<128x128xf32, #tpu.memory_space<hbm>>
    tpu.wait_dma2 semaphore(%dma_wait3A_540 : memref<!tpu.dma_semaphore, #tpu.memory_space<semaphore_mem>>) src(%dma_wait3A_547 : memref<128x128xf32, #tpu.memory_space<hbm>>) dst(%dma_wait3A_544 : memref<128x128xf32, #tpu.memory_space<vmem>>)
    %add3A_548 = arith.constant 25472 : i32
    %add3A_549 = arith.addi %mul3A_2, %add3A_548 : i32
    %dma_start3A_550 = arith.constant 3 : i32
    %dma_start3A_551 = arith.constant 1 : i32
    %dma_start3A_552 = arith.constant 0 : i32
    %dma_start3A_553 = arith.constant 0 : i32
    %dma_start3A_554 = tpu.memref_slice %arg6[%dma_start3A_550, %dma_start3A_552, %dma_start3A_553] : memref<4x128x128xf32, #tpu.memory_space<vmem>> -> memref<1x128x128xf32, #tpu.memory_space<vmem>>
    %dma_start3A_555 = tpu.memref_squeeze %dma_start3A_554 : memref<1x128x128xf32, #tpu.memory_space<vmem>> -> memref<128x128xf32, #tpu.memory_space<vmem>>
    %dma_start3A_556 = arith.constant 0 : i32
    %dma_start3A_557 = tpu.memref_slice %arg4[%add3A_549, %dma_start3A_556] : memref<819200x128xf32, #tpu.memory_space<hbm>> -> memref<128x128xf32, #tpu.memory_space<hbm>>
    %dma_start3A_558 = tpu.memref_slice %arg11[%dma_start3A_551] : memref<2x!tpu.dma_semaphore, #tpu.memory_space<semaphore_mem>> -> memref<1x!tpu.dma_semaphore, #tpu.memory_space<semaphore_mem>>
    %dma_start3A_559 = tpu.memref_squeeze %dma_start3A_558 : memref<1x!tpu.dma_semaphore, #tpu.memory_space<semaphore_mem>> -> memref<!tpu.dma_semaphore, #tpu.memory_space<semaphore_mem>>
    %dma_start3A_560 = arith.constant 0 : i32
    %dma_start3A_561 = tpu.memref_slice %arg4[%add3A_549, %dma_start3A_560] : memref<819200x128xf32, #tpu.memory_space<hbm>> -> memref<128x128xf32, #tpu.memory_space<hbm>>
    %dma_start3A_562 = arith.constant 0 : i32
    %dma_start3A_563 = arith.constant 0 : i32
    %dma_start3A_564 = tpu.memref_slice %arg6[%dma_start3A_550, %dma_start3A_562, %dma_start3A_563] : memref<4x128x128xf32, #tpu.memory_space<vmem>> -> memref<1x128x128xf32, #tpu.memory_space<vmem>>
    %dma_start3A_565 = tpu.memref_squeeze %dma_start3A_564 : memref<1x128x128xf32, #tpu.memory_space<vmem>> -> memref<128x128xf32, #tpu.memory_space<vmem>>
    tpu.enqueue_dma source(%dma_start3A_565 : memref<128x128xf32, #tpu.memory_space<vmem>>) target(%dma_start3A_561 : memref<128x128xf32, #tpu.memory_space<hbm>>) target_semaphore(%dma_start3A_559 : memref<!tpu.dma_semaphore, #tpu.memory_space<semaphore_mem>>)
    %dma_wait3A_566 = arith.constant 0 : i32
    %dma_wait3A_567 = arith.constant 1 : i32
    %dma_wait3A_568 = arith.constant 1 : i32
    %dma_wait3A_569 = arith.constant 0 : i32
    %dma_wait3A_570 = arith.constant 0 : i32
    %dma_wait3A_571 = tpu.memref_slice %arg6[%dma_wait3A_566, %dma_wait3A_569, %dma_wait3A_570] : memref<4x128x128xf32, #tpu.memory_space<vmem>> -> memref<1x128x128xf32, #tpu.memory_space<vmem>>
    %dma_wait3A_572 = tpu.memref_squeeze %dma_wait3A_571 : memref<1x128x128xf32, #tpu.memory_space<vmem>> -> memref<128x128xf32, #tpu.memory_space<vmem>>
    %dma_wait3A_573 = arith.constant 0 : i32
    %dma_wait3A_574 = arith.constant 0 : i32
    %dma_wait3A_575 = tpu.memref_slice %arg7[%arg1, %dma_wait3A_567, %dma_wait3A_573, %dma_wait3A_574] : memref<16x2x128x128xf32, #tpu.memory_space<vmem_shared>> -> memref<1x1x128x128xf32, #tpu.memory_space<vmem_shared>>
    %dma_wait3A_576 = tpu.memref_squeeze %dma_wait3A_575 : memref<1x1x128x128xf32, #tpu.memory_space<vmem_shared>> -> memref<128x128xf32, #tpu.memory_space<vmem_shared>>
    %dma_wait3A_577 = tpu.memref_slice %arg9[%dma_wait3A_568] : memref<2x!tpu.dma_semaphore, #tpu.memory_space<semaphore_mem>> -> memref<1x!tpu.dma_semaphore, #tpu.memory_space<semaphore_mem>>
    %dma_wait3A_578 = tpu.memref_squeeze %dma_wait3A_577 : memref<1x!tpu.dma_semaphore, #tpu.memory_space<semaphore_mem>> -> memref<!tpu.dma_semaphore, #tpu.memory_space<semaphore_mem>>
    %dma_wait3A_579 = arith.constant 0 : i32
    %dma_wait3A_580 = arith.constant 0 : i32
    %dma_wait3A_581 = tpu.memref_slice %arg7[%arg1, %dma_wait3A_567, %dma_wait3A_579, %dma_wait3A_580] : memref<16x2x128x128xf32, #tpu.memory_space<vmem_shared>> -> memref<1x1x128x128xf32, #tpu.memory_space<vmem_shared>>
    %dma_wait3A_582 = tpu.memref_squeeze %dma_wait3A_581 : memref<1x1x128x128xf32, #tpu.memory_space<vmem_shared>> -> memref<128x128xf32, #tpu.memory_space<vmem_shared>>
    %dma_wait3A_583 = arith.constant 0 : i32
    %dma_wait3A_584 = arith.constant 0 : i32
    %dma_wait3A_585 = tpu.memref_slice %arg6[%dma_wait3A_566, %dma_wait3A_583, %dma_wait3A_584] : memref<4x128x128xf32, #tpu.memory_space<vmem>> -> memref<1x128x128xf32, #tpu.memory_space<vmem>>
    %dma_wait3A_586 = tpu.memref_squeeze %dma_wait3A_585 : memref<1x128x128xf32, #tpu.memory_space<vmem>> -> memref<128x128xf32, #tpu.memory_space<vmem>>
    tpu.wait_dma2 semaphore(%dma_wait3A_578 : memref<!tpu.dma_semaphore, #tpu.memory_space<semaphore_mem>>) src(%dma_wait3A_586 : memref<128x128xf32, #tpu.memory_space<vmem>>) dst(%dma_wait3A_582 : memref<128x128xf32, #tpu.memory_space<vmem_shared>>)
    %add3A_587 = arith.constant 25344 : i32
    %add3A_588 = arith.addi %mul3A_2, %add3A_587 : i32
    %dma_start3A_589 = arith.constant 1 : i32
    %dma_start3A_590 = arith.constant 1 : i32
    %dma_start3A_591 = tpu.memref_slice %arg10[%dma_start3A_590] : memref<2x!tpu.dma_semaphore, #tpu.memory_space<semaphore_mem>> -> memref<1x!tpu.dma_semaphore, #tpu.memory_space<semaphore_mem>>
    %dma_start3A_592 = tpu.memref_squeeze %dma_start3A_591 : memref<1x!tpu.dma_semaphore, #tpu.memory_space<semaphore_mem>> -> memref<!tpu.dma_semaphore, #tpu.memory_space<semaphore_mem>>
    %dma_start3A_593 = arith.constant 0 : i32
    %dma_start3A_594 = tpu.memref_slice %arg4[%add3A_588, %dma_start3A_593] : memref<819200x128xf32, #tpu.memory_space<hbm>> -> memref<128x128xf32, #tpu.memory_space<hbm>>
    %dma_start3A_595 = arith.constant 0 : i32
    %dma_start3A_596 = arith.constant 0 : i32
    %dma_start3A_597 = tpu.memref_slice %arg7[%arg1, %dma_start3A_589, %dma_start3A_595, %dma_start3A_596] : memref<16x2x128x128xf32, #tpu.memory_space<vmem_shared>> -> memref<1x1x128x128xf32, #tpu.memory_space<vmem_shared>>
    %dma_start3A_598 = tpu.memref_squeeze %dma_start3A_597 : memref<1x1x128x128xf32, #tpu.memory_space<vmem_shared>> -> memref<128x128xf32, #tpu.memory_space<vmem_shared>>
    tpu.enqueue_dma source(%dma_start3A_598 : memref<128x128xf32, #tpu.memory_space<vmem_shared>>) target(%dma_start3A_594 : memref<128x128xf32, #tpu.memory_space<hbm>>) target_semaphore(%dma_start3A_592 : memref<!tpu.dma_semaphore, #tpu.memory_space<semaphore_mem>>)
    %dma_wait3A_599 = arith.constant 0 : i32
    %dma_wait3A_600 = arith.constant 0 : i32
    %dma_wait3A_601 = arith.constant 0 : i32
    %dma_wait3A_602 = arith.constant 0 : i32
    %dma_wait3A_603 = tpu.memref_slice %arg6[%dma_wait3A_599, %dma_wait3A_601, %dma_wait3A_602] : memref<4x128x128xf32, #tpu.memory_space<vmem>> -> memref<1x128x128xf32, #tpu.memory_space<vmem>>
    %dma_wait3A_604 = tpu.memref_squeeze %dma_wait3A_603 : memref<1x128x128xf32, #tpu.memory_space<vmem>> -> memref<128x128xf32, #tpu.memory_space<vmem>>
    %dma_wait3A_605 = arith.constant 0 : i32
    %dma_wait3A_606 = arith.constant 0 : i32
    %dma_wait3A_607 = tpu.memref_slice %arg4[%dma_wait3A_605, %dma_wait3A_606] : memref<819200x128xf32, #tpu.memory_space<hbm>> -> memref<128x128xf32, #tpu.memory_space<hbm>>
    %dma_wait3A_608 = tpu.memref_slice %arg11[%dma_wait3A_600] : memref<2x!tpu.dma_semaphore, #tpu.memory_space<semaphore_mem>> -> memref<1x!tpu.dma_semaphore, #tpu.memory_space<semaphore_mem>>
    %dma_wait3A_609 = tpu.memref_squeeze %dma_wait3A_608 : memref<1x!tpu.dma_semaphore, #tpu.memory_space<semaphore_mem>> -> memref<!tpu.dma_semaphore, #tpu.memory_space<semaphore_mem>>
    %dma_wait3A_610 = arith.constant 0 : i32
    %dma_wait3A_611 = arith.constant 0 : i32
    %dma_wait3A_612 = tpu.memref_slice %arg4[%dma_wait3A_610, %dma_wait3A_611] : memref<819200x128xf32, #tpu.memory_space<hbm>> -> memref<128x128xf32, #tpu.memory_space<hbm>>
    %dma_wait3A_613 = arith.constant 0 : i32
    %dma_wait3A_614 = arith.constant 0 : i32
    %dma_wait3A_615 = tpu.memref_slice %arg6[%dma_wait3A_599, %dma_wait3A_613, %dma_wait3A_614] : memref<4x128x128xf32, #tpu.memory_space<vmem>> -> memref<1x128x128xf32, #tpu.memory_space<vmem>>
    %dma_wait3A_616 = tpu.memref_squeeze %dma_wait3A_615 : memref<1x128x128xf32, #tpu.memory_space<vmem>> -> memref<128x128xf32, #tpu.memory_space<vmem>>
    tpu.wait_dma2 semaphore(%dma_wait3A_609 : memref<!tpu.dma_semaphore, #tpu.memory_space<semaphore_mem>>) src(%dma_wait3A_616 : memref<128x128xf32, #tpu.memory_space<vmem>>) dst(%dma_wait3A_612 : memref<128x128xf32, #tpu.memory_space<hbm>>)
    %dma_wait3A_617 = arith.constant 0 : i32
    %dma_wait3A_618 = arith.constant 1 : i32
    %dma_wait3A_619 = arith.constant 0 : i32
    %dma_wait3A_620 = arith.constant 0 : i32
    %dma_wait3A_621 = tpu.memref_slice %arg6[%dma_wait3A_617, %dma_wait3A_619, %dma_wait3A_620] : memref<4x128x128xf32, #tpu.memory_space<vmem>> -> memref<1x128x128xf32, #tpu.memory_space<vmem>>
    %dma_wait3A_622 = tpu.memref_squeeze %dma_wait3A_621 : memref<1x128x128xf32, #tpu.memory_space<vmem>> -> memref<128x128xf32, #tpu.memory_space<vmem>>
    %dma_wait3A_623 = arith.constant 0 : i32
    %dma_wait3A_624 = arith.constant 0 : i32
    %dma_wait3A_625 = tpu.memref_slice %arg4[%dma_wait3A_623, %dma_wait3A_624] : memref<819200x128xf32, #tpu.memory_space<hbm>> -> memref<128x128xf32, #tpu.memory_space<hbm>>
    %dma_wait3A_626 = tpu.memref_slice %arg11[%dma_wait3A_618] : memref<2x!tpu.dma_semaphore, #tpu.memory_space<semaphore_mem>> -> memref<1x!tpu.dma_semaphore, #tpu.memory_space<semaphore_mem>>
    %dma_wait3A_627 = tpu.memref_squeeze %dma_wait3A_626 : memref<1x!tpu.dma_semaphore, #tpu.memory_space<semaphore_mem>> -> memref<!tpu.dma_semaphore, #tpu.memory_space<semaphore_mem>>
    %dma_wait3A_628 = arith.constant 0 : i32
    %dma_wait3A_629 = arith.constant 0 : i32
    %dma_wait3A_630 = tpu.memref_slice %arg4[%dma_wait3A_628, %dma_wait3A_629] : memref<819200x128xf32, #tpu.memory_space<hbm>> -> memref<128x128xf32, #tpu.memory_space<hbm>>
    %dma_wait3A_631 = arith.constant 0 : i32
    %dma_wait3A_632 = arith.constant 0 : i32
    %dma_wait3A_633 = tpu.memref_slice %arg6[%dma_wait3A_617, %dma_wait3A_631, %dma_wait3A_632] : memref<4x128x128xf32, #tpu.memory_space<vmem>> -> memref<1x128x128xf32, #tpu.memory_space<vmem>>
    %dma_wait3A_634 = tpu.memref_squeeze %dma_wait3A_633 : memref<1x128x128xf32, #tpu.memory_space<vmem>> -> memref<128x128xf32, #tpu.memory_space<vmem>>
    tpu.wait_dma2 semaphore(%dma_wait3A_627 : memref<!tpu.dma_semaphore, #tpu.memory_space<semaphore_mem>>) src(%dma_wait3A_634 : memref<128x128xf32, #tpu.memory_space<vmem>>) dst(%dma_wait3A_630 : memref<128x128xf32, #tpu.memory_space<hbm>>)
    %dma_wait3A_635 = arith.constant 0 : i32
    %dma_wait3A_636 = arith.constant 0 : i32
    %dma_wait3A_637 = tpu.memref_slice %arg10[%dma_wait3A_636] : memref<2x!tpu.dma_semaphore, #tpu.memory_space<semaphore_mem>> -> memref<1x!tpu.dma_semaphore, #tpu.memory_space<semaphore_mem>>
    %dma_wait3A_638 = tpu.memref_squeeze %dma_wait3A_637 : memref<1x!tpu.dma_semaphore, #tpu.memory_space<semaphore_mem>> -> memref<!tpu.dma_semaphore, #tpu.memory_space<semaphore_mem>>
    %dma_wait3A_639 = arith.constant 0 : i32
    %dma_wait3A_640 = arith.constant 0 : i32
    %dma_wait3A_641 = tpu.memref_slice %arg4[%dma_wait3A_639, %dma_wait3A_640] : memref<819200x128xf32, #tpu.memory_space<hbm>> -> memref<128x128xf32, #tpu.memory_space<hbm>>
    %dma_wait3A_642 = arith.constant 0 : i32
    %dma_wait3A_643 = arith.constant 0 : i32
    %dma_wait3A_644 = tpu.memref_slice %arg7[%arg1, %dma_wait3A_635, %dma_wait3A_642, %dma_wait3A_643] : memref<16x2x128x128xf32, #tpu.memory_space<vmem_shared>> -> memref<1x1x128x128xf32, #tpu.memory_space<vmem_shared>>
    %dma_wait3A_645 = tpu.memref_squeeze %dma_wait3A_644 : memref<1x1x128x128xf32, #tpu.memory_space<vmem_shared>> -> memref<128x128xf32, #tpu.memory_space<vmem_shared>>
    tpu.wait_dma2 semaphore(%dma_wait3A_638 : memref<!tpu.dma_semaphore, #tpu.memory_space<semaphore_mem>>) src(%dma_wait3A_645 : memref<128x128xf32, #tpu.memory_space<vmem_shared>>) dst(%dma_wait3A_641 : memref<128x128xf32, #tpu.memory_space<hbm>>)
    %dma_wait3A_646 = arith.constant 1 : i32
    %dma_wait3A_647 = arith.constant 1 : i32
    %dma_wait3A_648 = tpu.memref_slice %arg10[%dma_wait3A_647] : memref<2x!tpu.dma_semaphore, #tpu.memory_space<semaphore_mem>> -> memref<1x!tpu.dma_semaphore, #tpu.memory_space<semaphore_mem>>
    %dma_wait3A_649 = tpu.memref_squeeze %dma_wait3A_648 : memref<1x!tpu.dma_semaphore, #tpu.memory_space<semaphore_mem>> -> memref<!tpu.dma_semaphore, #tpu.memory_space<semaphore_mem>>
    %dma_wait3A_650 = arith.constant 0 : i32
    %dma_wait3A_651 = arith.constant 0 : i32
    %dma_wait3A_652 = tpu.memref_slice %arg4[%dma_wait3A_650, %dma_wait3A_651] : memref<819200x128xf32, #tpu.memory_space<hbm>> -> memref<128x128xf32, #tpu.memory_space<hbm>>
    %dma_wait3A_653 = arith.constant 0 : i32
    %dma_wait3A_654 = arith.constant 0 : i32
    %dma_wait3A_655 = tpu.memref_slice %arg7[%arg1, %dma_wait3A_646, %dma_wait3A_653, %dma_wait3A_654] : memref<16x2x128x128xf32, #tpu.memory_space<vmem_shared>> -> memref<1x1x128x128xf32, #tpu.memory_space<vmem_shared>>
    %dma_wait3A_656 = tpu.memref_squeeze %dma_wait3A_655 : memref<1x1x128x128xf32, #tpu.memory_space<vmem_shared>> -> memref<128x128xf32, #tpu.memory_space<vmem_shared>>
    tpu.wait_dma2 semaphore(%dma_wait3A_649 : memref<!tpu.dma_semaphore, #tpu.memory_space<semaphore_mem>>) src(%dma_wait3A_656 : memref<128x128xf32, #tpu.memory_space<vmem_shared>>) dst(%dma_wait3A_652 : memref<128x128xf32, #tpu.memory_space<hbm>>)
    return
  }
}

</mosaic_0001>

<sc_bundles>
// kernel: kernel.3.cloned.1.call-start
scs
__scs_entry_jumppad:
0x0: {  	(pc) =	sbr.rel $0x88, $3  }
0x1: {  	(tag) =	ssettag $0x0;
	lr =	simm.s32 $0x1  }
0x2: {  	[smem:$0x3F9F] =	sst lr;
	_ =	strace $0xD0000000  }
0x3: {  	_ = 	snop  }
0x4: {  	_ = 	snop  }
0x5: {  	_ = 	snop  }
0x6: {  	_ = 	snop  }
0x7: {  	_ = 	snop  }
__scs_overlays_trampoline_lowered:
0x8: {  	[smem:$0x3FAE] =	sst s0  }
0x9: {  	[smem:$0x3FAF] =	sst s1  }
0xa: {  	[smem:$0x3FB0] =	sst s2  }
0xb: {  	[smem:$0x3FB1] =	sst s3  }
0xc: {  	[smem:$0x3FB2] =	sst s4  }
0xd: {  	[smem:$0x3FB3] =	sst s5  }
0xe: {  	[smem:$0x3FB4] =	sst s6  }
0xf: {  	[smem:$0x3FB5] =	sst s7  }
0x10: {  	[smem:$0x3FB6] =	sst s8  }
0x11: {  	[smem:$0x3FB7] =	sst s9;
	s0 =	simm.s32 @!p0 $0x0  }
0x12: {  	s1 =	sld [smem:$0x3F9D];
	s0 =	simm.s32 @p0 $0x1  }
0x13: {  	[smem:$0x3FB8] =	sst s0;
	s0 =	simm.s32 @!p1 $0x0  }
0x14: {  	s2 =	sld [smem:$0x3F9C];
	s0 =	simm.s32 @p1 $0x1  }
0x15: {  	[smem:$0x3FB9] =	sst s0;
	s0 =	simm.s32 @!p2 $0x0  }
0x16: {  	s3 =	sld [smem:$0x3FDB];
	s0 =	simm.s32 @p2 $0x1  }
0x17: {  	s4 =	simm.s32 $0x1BF5;
	[smem:$0x3FBB] =	sst s0  }
0x18: {  	s0 =	sld [smem:$0x3F9E];
	_ =	swait.ge [sflag:s4], $0x0  }
0x19: {  	s7 =	sld [smem:$0x3F9F]  }
0x1a: {  	s8 =	sadd.s32 $0xFFFFE003, lr  }
0x1b: {  	s9 =	sadd.s32 $0xFFFFFEF7, lr;
	s5 =	simm.s32 $0xFFFFFFFF;
	p2 =	slt.u32 s8, $0xFFFFF086  }
0x1c: {  	p1 =	slt.u32 s9, $0xF7A;
	s5 =	simm.s32 @!p2 $0x0  }
0x1d: {  	s5 =	simm.s32 @p1 $0x1;
	p0 =	seq.s32 s7, s2  }
0x1e: {  	s7 =	smul.u32 @!p0 $0xF7A, s2;
	p2 =	seq.s32 @!p0 s5, $0x0  }
0x1f: {  	s9 =	smul.u32 $0xF7A, s1;
	s8 =	simm.s32 @!p0 $0x1BF5;
	p2 =	por !p2, p0  }
0x20: {  	[sflag:s8] =	ssyncset.s32 @!p0 $0xFFFFF086;
	s6 =	sadd.s32 @!p0 s3, s7;
	s7 =	simm.s32 @!p0 $0x108  }
0x21: {  	s3 =	sadd.s32 s3, s9;
	s6 =	sadd.s32 @!p0 $0x88, s6;
	s7 =	simm.s32 @p2 $0x1082  }
0x22: {  	[simem:s7], [sflag:s8] =	dma.local @!p0 [hbm:s6], $0xF7A  }
0x23: {  	s9 =	sor.u32 $0xD0000000, s2;
	s6 =	simm.s32 $0x108;
	_ =	swait.ge @!p0 [sflag:s8], $0x0  }
0x24: {  	s3 =	sadd.s32 $0x88, s3;
	s6 =	simm.s32 @!p1 $0x1082;
	[sflag:s4] =	ssyncset.s32 $0xFFFFF086  }
0x25: {  	[simem:s6], [sflag:s4] =	dma.local [hbm:s3], $0xF7A  }
0x26: {  	[smem:$0x3F9F] =	sst s1;
	(tag) =	ssettag s2;
	_ =	strace s9  }
0x27: {  	s1 =	sld [smem:$0x3FAF]  }
0x28: {  	s2 =	sld [smem:$0x3FB0]  }
0x29: {  	s4 =	sld [smem:$0x3FB2]  }
0x2a: {  	p0 =	seq.s32 s5, $0x0;
	s5 =	sld [smem:$0x3FB3]  }
0x2b: {  	s6 =	sld [smem:$0x3FB4]  }
0x2c: {  	s7 =	sld [smem:$0x3FB5]  }
0x2d: {  	s3 =	simm.s32 $0x108;
	s8 =	sld [smem:$0x3FB6]  }
0x2e: {  	s3 =	simm.s32 @!p0 $0x1082;
	s9 =	sld [smem:$0x3FB7]  }
0x2f: {  	lr =	sadd.s32 s0, s3;
	s0 =	sld [smem:$0x3FAE]  }
0x30: {  	s3 =	sld [smem:$0x3FB1]  }
0x31: {  	[smem:$0x3FBA] =	sst s10  }
0x32: {  	s10 =	sld [smem:$0x3FB8];
	_ =	sdelay $0x3  }
0x33: {  	p0 =	seq.s32 s10, $0x1;
	s10 =	sld [smem:$0x3FBA];
	_ =	sdelay $0x3  }
0x34: {  	[smem:$0x3FBA] =	sst s10  }
0x35: {  	s10 =	sld [smem:$0x3FB9];
	_ =	sdelay $0x3  }
0x36: {  	p1 =	seq.s32 s10, $0x1;
	s10 =	sld [smem:$0x3FBA];
	_ =	sdelay $0x3  }
0x37: {  	[smem:$0x3FBA] =	sst s10  }
0x38: {  	s10 =	sld [smem:$0x3FBB]  }
0x39: {  	_ = 	snop;
	(pc) =	sbr.ind lr, $3  }
0x3a: {  	_ = 	snop  }
0x3b: {  	_ = 	snop  }
0x3c: {  	p2 =	seq.s32 s10, $0x1;
	s10 =	sld [smem:$0x3FBA]  }
0x3d: {  	_ =	shalt  }
0x3e: {  	_ =	shalt  }
0x3f: {  	_ =	shalt  }
0x40: {  	_ =	shalt  }
0x41: {  	_ =	shalt  }
0x42: {  	_ =	shalt  }
0x43: {  	_ =	shalt  }
0x44: {  	_ =	shalt  }
0x45: {  	_ =	shalt  }
0x46: {  	_ =	shalt  }
0x47: {  	_ =	shalt  }
0x48: {  	_ =	shalt  }
0x49: {  	_ =	shalt  }
0x4a: {  	_ =	shalt  }
0x4b: {  	_ =	shalt  }
0x4c: {  	_ =	shalt  }
0x4d: {  	_ =	shalt  }
0x4e: {  	_ =	shalt  }
0x4f: {  	_ =	shalt  }
0x50: {  	_ =	shalt  }
0x51: {  	_ =	shalt  }
0x52: {  	_ =	shalt  }
0x53: {  	_ =	shalt  }
0x54: {  	_ =	shalt  }
0x55: {  	_ =	shalt  }
0x56: {  	_ =	shalt  }
0x57: {  	_ =	shalt  }
0x58: {  	_ =	shalt  }
0x59: {  	_ =	shalt  }
0x5a: {  	_ =	shalt  }
0x5b: {  	_ =	shalt  }
0x5c: {  	_ =	shalt  }
0x5d: {  	_ =	shalt  }
0x5e: {  	_ =	shalt  }
0x5f: {  	_ =	shalt  }
0x60: {  	_ =	shalt  }
0x61: {  	_ =	shalt  }
0x62: {  	_ =	shalt  }
0x63: {  	_ =	shalt  }
0x64: {  	_ =	shalt  }
0x65: {  	_ =	shalt  }
0x66: {  	_ =	shalt  }
0x67: {  	_ =	shalt  }
0x68: {  	_ =	shalt  }
0x69: {  	_ =	shalt  }
0x6a: {  	_ =	shalt  }
0x6b: {  	_ =	shalt  }
0x6c: {  	_ =	shalt  }
0x6d: {  	_ =	shalt  }
0x6e: {  	_ =	shalt  }
0x6f: {  	_ =	shalt  }
0x70: {  	_ =	shalt  }
0x71: {  	_ =	shalt  }
0x72: {  	_ =	shalt  }
0x73: {  	_ =	shalt  }
0x74: {  	_ =	shalt  }
0x75: {  	_ =	shalt  }
0x76: {  	_ =	shalt  }
0x77: {  	_ =	shalt  }
0x78: {  	_ =	shalt  }
0x79: {  	_ =	shalt  }
0x7a: {  	_ =	shalt  }
0x7b: {  	_ =	shalt  }
0x7c: {  	_ =	shalt  }
0x7d: {  	_ =	shalt  }
0x7e: {  	_ =	shalt  }
0x7f: {  	_ =	shalt  }
0x80: {  	_ =	shalt  }
0x81: {  	_ =	shalt  }
0x82: {  	_ =	shalt  }
0x83: {  	_ =	shalt  }
0x84: {  	_ =	shalt  }
0x85: {  	_ =	shalt  }
0x86: {  	_ =	shalt  }
0x87: {  	_ =	shalt  }
.Lfunc_end0:
.L_simem_size_0:
called_computation_lowered:
.L_overlay_start_0:
0x88: {  	s2 =	sld [smem:$0x3FD9]  }
0x89: {  	s3 =	sld [smem:$0x3FFE];
	_ =	sdelay $0x1  }
0x8a: {  	s1 =	srdreg.scid  }
0x8b: {  	s0 =	sand.u32 $0x1, s1  }
0x8c: {  	s17 =	sshll.u32 s0, $0xA;
	s2 =	sadd.s32 s3, s2  }
0x8d: {  	s2 =	sadd.s32 s2, s17  }
0x8e: {  	[smem:$0x3FC6] =	sst s2  }
0x8f: {  	_ = 	snop  }
0x90: {  	s2 =	sld [smem:$0x3FC8]  }
0x91: {  	s18 =	sld [smem:$0x3FD0];
	(tm) =	ssettm $0x1  }
0x92: {  	s4 =	sld [smem:$0x3FFB];
	_ =	sdelay $0x3  }
0x93: {  	_ =	strace s4  }
0x94: {  	s4 =	sld [smem:$0x3FFC];
	_ =	sdelay $0x3  }
0x95: {  	_ =	strace s4  }
0x96: {  	s4 =	sld [smem:$0x3FFD];
	_ =	sdelay $0x3  }
0x97: {  	_ =	strace s4  }
0x98: {  	_ =	strace $0x8FFFFFFF  }
0x99: {  	s19 =	sld [smem:$0x3FDB];
	_ =	sdelay $0x1  }
0x9a: {  	s5 =	simm.s32 $_scs_section_size  }
0x9b: {  	s6 =	simm.s32 $_size__tile_overlayer_lowered;
	s7 =	simm.s32 $_tile_overlayer_lowered  }
0x9c: {  	s22 =	simm.s32 $0x1BFF;
	s21 =	sshll.u32 s7, $0x1;
	s4 =	sadd.s32 s5, s19  }
0x9d: {  	s8 =	simm.s32 $0x0;
	s20 =	sshll.u32 s6, $0x1;
	s6 =	sadd.s32 s21, s4  }
0x9e: {  	[timem:s8], [sflag:s22] =	dma.local [hbm:s6], s20  }
0x9f: {  	_ =	swait.ge [sflag:s22], s20  }
0xa0: {  	s5 =	ssub.s32 $0x0, s20;
	[sflag:s22] =	ssyncset.done $0x0  }
0xa1: {  	[sflag:s22] =	ssyncadd.s32 s5;
	_ =	sdelay $0x1  }
0xa2: {  	s23 =	simm.s32 $0x1B8B  }
0xa3: {  	_ =	swait.ge [sflag:s23], $0x1  }
0xa4: {  	[sflag:s23] =	ssyncset.done $0x0  }
0xa5: {  	s25 =	simm.s32 $0x1B8E;
	s24 =	sld [smem:$0x3FFE];
	[sflag:s23] =	ssyncadd.s32 $0xFFFFFFFF  }
0xa6: {  	s26 =	simm.s32 $execute0_lowered;
	[smem:$0x3FD2] =	sst s25  }
0xa7: {  	s6 =	sshll.u32 s26, $0x1;
	_ =	strace $0x80000046;
	[dreg:$0x1] =	wrdreg $0xFFFFFFFF  }
0xa8: {  	s28 =	simm.s32 $_size_execute0_lowered;
	s4 =	sadd.s32 s4, s6;
	[dreg:$0x0] =	wrdreg $0x0  }
0xa9: {  	s6 =	sshll.u32 s28, $0x1;
	[dreg:$0x2] =	wrdreg s4  }
0xaa: {  	[dreg:$0x3] =	wrdreg s6  }
0xab: {  	[dreg:$0x4] =	wrdreg $0xC0  }
0xac: {  	_ =	task [dreg:s8], $0x5FFFF  }
0xad: {  	[dreg:$0x1] =	wrdreg $0xFFFFFFFF  }
0xae: {  	[dreg:$0x0] =	wrdreg $0x60  }
0xaf: {  	[dreg:$0x2] =	wrdreg s2  }
0xb0: {  	[dreg:$0x3] =	wrdreg s24  }
0xb1: {  	[dreg:$0x4] =	wrdreg s18  }
0xb2: {  	[dreg:$0x5] =	wrdreg $0x164000  }
0xb3: {  	[dreg:$0x6] =	wrdreg $0x9  }
0xb4: {  	_ =	task.clear_ibuf [dreg:s8], $0x7FFFF;
	_ =	strace $0x90000046  }
0xb5: {  	s29 =	simm.s32 $0x9;
	_ =	strace $0x80000048  }
0xb6: {  	_ =	swait.ge [sflag:s29], $0x1  }
0xb7: {  	[sflag:s29] =	ssyncadd.s32 $0xFFFFFFFF  }
0xb8: {  	_ =	strace $0x90000048  }
0xb9: {  	_ =	sfence  }
0xba: {  	s30 =	sld [smem:$0x0];
	_ =	sdelay $0x2  }
0xbb: {  	s31 =	sshll.u32 s1, $0xD;
	s1 =	sshrl.u32 s1, $0x2  }
0xbc: {  	s3 =	sand.u32 $0x4000, s31;
	s1 =	sadd.s32 s1, s30  }
0xbd: {  	s0 =	sor.u32 s3, s0;
	s1 =	sshll.u32 s1, $0x11  }
0xbe: {  	s0 =	sor.u32 s1, s0  }
0xbf: {  	s0 =	sadd.s32 $0x8F2B, s0  }
0xc0: {  	[sflag:s0] =	ssyncadd.remote.s32 $0x1  }
0xc1: {  	_ =	sfence.sel $0xFFFF  }
0xc2: {  	[dreg:$0x0] =	wrdreg $0xFFFFFFFF;
	(pc) =	sbr.abs _section_cstart, $3  }
0xc3: {  	[dreg:$0x1] =	wrdreg $0xFFFFFFFF  }
0xc4: {  	_ =	task.clear_ibuf [dreg:s8], $0x2FFFF;
	_ =	strace $0x9FFFFFFF  }
0xc5: {  	(tm) =	ssettm $0x7FFFFFFF  }
tec
execute0_lowered:
.L_overlay_start_1:
0x0: {  	(tag) =	ssettag $0x1  }
0x1: {  	s0 =	rddreg [dreg:$0x0]  }
0x2: {  	s2 =	rddreg [dreg:$0x1]  }
0x3: {  	s1 =	srdreg.scid;
	s4 =	rddreg [dreg:$0x2]  }
0x4: {  	s10 =	stileid.u32;
	s5 =	rddreg [dreg:$0x3];
	s28 =	simm.s32 $0x5  }
0x5: {  	s30 =	simm.s32 $0x3;
	s31 =	simm.s32 $0x9;
	s1 =	sand.u32 $0x1, s1  }
0x6: {  	s18 =	sshll.u32 s10, $0xF;
	s24 =	smul.u32 $0x64000, s10;
	s3 =	sshll.u32 s1, $0x4  }
0x7: {  	s8 =	ssub.s32 $0x2, s1;
	s1 =	smul.u32 $0x640000, s1;
	s6 =	sor.u32 s10, s3  }
0x8: {  	s29 =	simm.s32 $0x7;
	s5 =	sadd.s32 s18, s5;
	s7 =	smul.u32 $0x6400, s6  }
0x9: {  	s18 =	simm.s32 $0x80;
	s3 =	simm.s32 $0x0;
	s9 =	smul.u32 $0x64000, s6  }
0xa: {  	s17 =	sshrl.u32 s8, $0x1;
	[smem:$0x7FF] =	sst s3;
	s19 =	smul.u32 $0x320000, s6  }
0xb: {  	s1 =	sadd.s32 s1, s4;
	s6 =	simm.s32 $0x0;
	_ =	strace $0x80000047  }
0xc: {  	s1 =	sadd.s32 s24, s1;
	s24 =	simm.s32 $0x8;
	s9 =	sadd.s32 s4, s9  }
0xd: {  	s7 =	sshrl.u32 s7, $0x3;
	s1 =	sadd.s32 $0x3000, s1;
	[dreg:$0x6] =	wrdreg s9  }
0xe: {  	s2 =	sadd.s32 s7, s2;
	s20 =	sadd.s32 $0x800, s9;
	[dreg:$0xf] =	wrdreg s1  }
0xf: {  	s7 =	ssub.s32 s8, s17;
	s21 =	sadd.s32 $0x1800, s9;
	[dreg:$0x7] =	wrdreg s20  }
0x10: {  	s8 =	sadd.s32 $0x4000, s5;
	s22 =	sadd.s32 $0x1000, s9;
	[dreg:$0x8] =	wrdreg s21  }
0x11: {  	s23 =	sadd.s32 $0x2800, s9;
	s9 =	sadd.s32 $0x2000, s9;
	[dreg:$0x9] =	wrdreg s22  }
0x12: {  	s1 =	simm.s32 $0x4;
	s2 =	sadd.s32 $0x400, s2;
	[dreg:$0xa] =	wrdreg s23  }
0x13: {  	[dreg:$0xb] =	wrdreg s9;
	s26 =	smax.u32 s7, $0x1;
	s20 =	simm.s32 $0xA400  }
0x14: {  	s22 =	simm.s32 $0xE400;
	[dreg:$0x5] =	wrdreg s2;
	s2 =	sshrl.u32 s19, $0x3  }
0x15: {  	s23 =	simm.s32 $0x1;
	s21 =	simm.s32 $0x6;
	s2 =	sadd.s32 s4, s2  }
0x16: {  	[dreg:$0xe] =	wrdreg s26;
	s19 =	simm.s32 $0x6400;
	s25 =	sadd.s32 $0x63800, s2  }
0x17: {  	s26 =	simm.s32 $0x2;
	s2 =	sadd.s32 $0x63000, s2;
	[dreg:$0xc] =	wrdreg s25  }
0x18: {  	[dreg:$0xd] =	wrdreg s2;
	s25 =	simm.s32 $0x12400;
	s2 =	simm.s32 $0xA  }
.LBB2_1:
0x19: {  	[dreg:$0x10] =	wrdreg s6  }
0x1a: {  	s4 =	rddreg [dreg:$0x5];
	s12 =	simm.s32 $0xB  }
0x1b: {  	[tilespmem:s3], [sflag:$0xB] =	stream.linear.gather [hbm4b:s4+s3], $0x6400, $0x38;
	[tilespmem:$0x1E400] =	vst v63  }
0x1c: {  	_ =	swait.ge [sflag:s12], $0x6400  }
0x1d: {  	[sflag:s12] =	ssyncset.done $0x0  }
0x1e: {  	[sflag:s12] =	ssyncadd.s32 $0xFFFF9C00  }
0x1f: {  	[tilespmem:s19], [sflag:$0x1] =	stream.indirect.gather [hbm4b:s0+s18], $0x80, s3, s18, $0xb8;
	[tilespmem:$0x1E400] =	vst v63  }
0x20: {  	_ = 	snop  }
0x21: {  	[tilespmem:s20], [sflag:$0x2] =	stream.indirect.gather [hbm4b:s0+s18], $0x80, s18, s18, $0xb8;
	[tilespmem:$0x1E400] =	vst v63  }
0x22: {  	s13 =	simm.s32 $0x100  }
0x23: {  	[tilespmem:s22], [sflag:$0x3] =	stream.indirect.gather [hbm4b:s0+s18], $0x80, s13, s18, $0xb8;
	[tilespmem:$0x1E400] =	vst v63  }
0x24: {  	_ =	swait.ge [sflag:s23], $0x4000  }
0x25: {  	[sflag:s23] =	ssyncset.done $0x0  }
0x26: {  	[sflag:s23] =	ssyncadd.s32 $0xFFFFC000  }
0x27: {  	[spmem:s5] =	stream.linear.scatter [tilespmem:s19], [sflag:$0x5], $0x4000, $0x38;
	[tilespmem:$0x1E400] =	vst v63  }
0x28: {  	s14 =	simm.s32 $0x180  }
0x29: {  	[tilespmem:s25], [sflag:$0x4] =	stream.indirect.gather [hbm4b:s0+s18], $0x80, s14, s18, $0xb8;
	[tilespmem:$0x1E400] =	vst v63  }
0x2a: {  	_ =	swait.ge [sflag:s26], $0x4000  }
0x2b: {  	[sflag:s26] =	ssyncset.done $0x0  }
0x2c: {  	s15 =	rddreg [dreg:$0x7];
	[sflag:s26] =	ssyncadd.s32 $0xFFFFC000  }
0x2d: {  	[hbm4b:s15+s3] =	stream.linear.scatter [tilespmem:s20], [sflag:$0x9], $0x4000, $0x38;
	[tilespmem:$0x1E400] =	vst v63  }
0x2e: {  	s16 =	stileid.u32;
	s9 =	sshrl.u32 s5, $0x3;
	_ =	swait.ge [sflag:s28], $0x4000  }
0x2f: {  	s11 =	simm.s32 $0x200;
	s17 =	sshll.u32 s16, $0x6;
	[sflag:s28] =	ssyncset.done $0x0  }
0x30: {  	s7 =	sor.u32 $0x1C07, s17;
	s10 =	rddreg [dreg:$0x6];
	[sflag:s28] =	ssyncadd.s32 $0xFFFFC000  }
0x31: {  	[hbm:s10], [sflag:s7] =	dma.local [spmem:s9], $0x800  }
0x32: {  	[tilespmem:s19], [sflag:$0x1] =	stream.indirect.gather [hbm4b:s0+s18], $0x80, s11, s18, $0xb8;
	[tilespmem:$0x1E400] =	vst v63  }
0x33: {  	_ =	swait.ge [sflag:s30], $0x4000  }
0x34: {  	[sflag:s30] =	ssyncset.done $0x0  }
0x35: {  	[sflag:s30] =	ssyncadd.s32 $0xFFFFC000  }
0x36: {  	[spmem:s8] =	stream.linear.scatter [tilespmem:s22], [sflag:$0x6], $0x4000, $0x38;
	[tilespmem:$0x1E400] =	vst v63  }
0x37: {  	_ =	swait.ge [sflag:s31], $0x4000  }
0x38: {  	[sflag:s31] =	ssyncset.done $0x0  }
0x39: {  	s12 =	simm.s32 $0x280;
	[sflag:s31] =	ssyncadd.s32 $0xFFFFC000  }
0x3a: {  	[tilespmem:s20], [sflag:$0x2] =	stream.indirect.gather [hbm4b:s0+s18], $0x80, s12, s18, $0xb8;
	[tilespmem:$0x1E400] =	vst v63  }
0x3b: {  	_ =	swait.ge [sflag:s1], $0x4000  }
0x3c: {  	[sflag:s1] =	ssyncset.done $0x0  }
0x3d: {  	s13 =	rddreg [dreg:$0x8];
	[sflag:s1] =	ssyncadd.s32 $0xFFFFC000  }
0x3e: {  	[hbm4b:s13+s3] =	stream.linear.scatter [tilespmem:s25], [sflag:$0xA], $0x4000, $0x38;
	[tilespmem:$0x1E400] =	vst v63  }
0x3f: {  	_ =	swait.ge [sflag:s21], $0x4000  }
0x40: {  	s15 =	simm.s32 $0x300;
	s10 =	sor.u32 $0x1C08, s17;
	[sflag:s21] =	ssyncset.done $0x0  }
0x41: {  	s11 =	sshrl.u32 s8, $0x3;
	s14 =	rddreg [dreg:$0x9];
	[sflag:s21] =	ssyncadd.s32 $0xFFFFC000  }
0x42: {  	[hbm:s14], [sflag:s10] =	dma.local [spmem:s11], $0x800  }
0x43: {  	[tilespmem:s22], [sflag:$0x3] =	stream.indirect.gather [hbm4b:s0+s18], $0x80, s15, s18, $0xb8;
	[tilespmem:$0x1E400] =	vst v63  }
0x44: {  	_ =	swait.ge [sflag:s23], $0x4000  }
0x45: {  	[sflag:s23] =	ssyncset.done $0x0  }
0x46: {  	[sflag:s23] =	ssyncadd.s32 $0xFFFFC000  }
0x47: {  	_ =	swait.ge [sflag:s29], $0x800  }
0x48: {  	[sflag:s29] =	ssyncset.done $0x0  }
0x49: {  	[sflag:s29] =	ssyncadd.s32 $0xFFFFF800  }
0x4a: {  	[spmem:s5] =	stream.linear.scatter [tilespmem:s19], [sflag:$0x5], $0x4000, $0x38;
	[tilespmem:$0x1E400] =	vst v63  }
0x4b: {  	_ =	swait.ge [sflag:s2], $0x4000  }
0x4c: {  	[sflag:s2] =	ssyncset.done $0x0  }
0x4d: {  	s16 =	simm.s32 $0x380;
	[sflag:s2] =	ssyncadd.s32 $0xFFFFC000  }
0x4e: {  	[tilespmem:s25], [sflag:$0x4] =	stream.indirect.gather [hbm4b:s0+s18], $0x80, s16, s18, $0xb8;
	[tilespmem:$0x1E400] =	vst v63  }
0x4f: {  	_ =	swait.ge [sflag:s26], $0x4000  }
0x50: {  	[sflag:s26] =	ssyncset.done $0x0  }
0x51: {  	s17 =	rddreg [dreg:$0xa];
	[sflag:s26] =	ssyncadd.s32 $0xFFFFC000  }
0x52: {  	[hbm4b:s17+s3] =	stream.linear.scatter [tilespmem:s20], [sflag:$0x9], $0x4000, $0x38;
	[tilespmem:$0x1E400] =	vst v63  }
0x53: {  	_ =	swait.ge [sflag:s28], $0x4000  }
0x54: {  	[sflag:s28] =	ssyncset.done $0x0  }
0x55: {  	s12 =	simm.s32 $0x400;
	s6 =	rddreg [dreg:$0xb];
	[sflag:s28] =	ssyncadd.s32 $0xFFFFC000  }
0x56: {  	[hbm:s6], [sflag:s7] =	dma.local [spmem:s9], $0x800  }
0x57: {  	[tilespmem:s19], [sflag:$0x1] =	stream.indirect.gather [hbm4b:s0+s18], $0x80, s12, s18, $0xb8;
	[tilespmem:$0x1E400] =	vst v63  }
0x58: {  	_ =	swait.ge [sflag:s30], $0x4000  }
0x59: {  	[sflag:s30] =	ssyncset.done $0x0  }
0x5a: {  	[sflag:s30] =	ssyncadd.s32 $0xFFFFC000  }
0x5b: {  	_ =	swait.ge [sflag:s24], $0x800  }
0x5c: {  	[sflag:s24] =	ssyncset.done $0x0  }
0x5d: {  	[sflag:s24] =	ssyncadd.s32 $0xFFFFF800  }
0x5e: {  	[spmem:s8] =	stream.linear.scatter [tilespmem:s22], [sflag:$0x6], $0x4000, $0x38;
	[tilespmem:$0x1E400] =	vst v63  }
0x5f: {  	_ =	swait.ge [sflag:s31], $0x4000  }
0x60: {  	[sflag:s31] =	ssyncset.done $0x0  }
0x61: {  	s13 =	simm.s32 $0x480;
	[sflag:s31] =	ssyncadd.s32 $0xFFFFC000  }
0x62: {  	[tilespmem:s20], [sflag:$0x2] =	stream.indirect.gather [hbm4b:s0+s18], $0x80, s13, s18, $0xb8;
	[tilespmem:$0x1E400] =	vst v63  }
0x63: {  	_ =	swait.ge [sflag:s1], $0x4000  }
0x64: {  	[sflag:s1] =	ssyncset.done $0x0;
	s4 =	rddreg [dreg:$0xf]  }
0x65: {  	[sflag:s1] =	ssyncadd.s32 $0xFFFFC000;
	s14 =	sadd.s32 $0x800, s4  }
0x66: {  	[hbm4b:s14+s3] =	stream.linear.scatter [tilespmem:s25], [sflag:$0xA], $0x4000, $0x38;
	[tilespmem:$0x1E400] =	vst v63  }
0x67: {  	_ =	swait.ge [sflag:s21], $0x4000  }
0x68: {  	[sflag:s21] =	ssyncset.done $0x0  }
0x69: {  	s15 =	simm.s32 $0x500;
	[sflag:s21] =	ssyncadd.s32 $0xFFFFC000  }
0x6a: {  	[hbm:s4], [sflag:s10] =	dma.local [spmem:s11], $0x800  }
0x6b: {  	[tilespmem:s22], [sflag:$0x3] =	stream.indirect.gather [hbm4b:s0+s18], $0x80, s15, s18, $0xb8;
	[tilespmem:$0x1E400] =	vst v63  }
0x6c: {  	_ =	swait.ge [sflag:s23], $0x4000  }
0x6d: {  	[sflag:s23] =	ssyncset.done $0x0  }
0x6e: {  	[sflag:s23] =	ssyncadd.s32 $0xFFFFC000  }
0x6f: {  	_ =	swait.ge [sflag:s29], $0x800  }
0x70: {  	[sflag:s29] =	ssyncset.done $0x0  }
0x71: {  	[sflag:s29] =	ssyncadd.s32 $0xFFFFF800  }
0x72: {  	[spmem:s5] =	stream.linear.scatter [tilespmem:s19], [sflag:$0x5], $0x4000, $0x38;
	[tilespmem:$0x1E400] =	vst v63  }
0x73: {  	_ =	swait.ge [sflag:s2], $0x4000  }
0x74: {  	[sflag:s2] =	ssyncset.done $0x0  }
0x75: {  	s16 =	simm.s32 $0x580;
	[sflag:s2] =	ssyncadd.s32 $0xFFFFC000  }
0x76: {  	[tilespmem:s25], [sflag:$0x4] =	stream.indirect.gather [hbm4b:s0+s18], $0x80, s16, s18, $0xb8;
	[tilespmem:$0x1E400] =	vst v63  }
0x77: {  	_ =	swait.ge [sflag:s26], $0x4000  }
0x78: {  	[sflag:s26] =	ssyncset.done $0x0  }
0x79: {  	s17 =	sadd.s32 $0x1800, s4;
	[sflag:s26] =	ssyncadd.s32 $0xFFFFC000  }
0x7a: {  	[hbm4b:s17+s3] =	stream.linear.scatter [tilespmem:s20], [sflag:$0x9], $0x4000, $0x38;
	[tilespmem:$0x1E400] =	vst v63  }
0x7b: {  	s13 =	simm.s32 $0x200;
	s12 =	sadd.s32 $0x2000, s4;
	_ =	swait.ge [sflag:s28], $0x4000  }
0x7c: {  	s14 =	simm.s32 $0x1000;
	s16 =	sadd.s32 $0x1000, s4;
	[sflag:s28] =	ssyncset.done $0x0  }
.LBB2_2:
0x7d: {  	s4 =	sadd.s32 $0x400, s13;
	[sflag:s28] =	ssyncadd.s32 $0xFFFFC000  }
0x7e: {  	s15 =	smov.u32 s14;
	s17 =	sadd.s32 $0x800, s14;
	s6 =	smov.u32 s12  }
0x7f: {  	[hbm:s16], [sflag:s7] =	dma.local [spmem:s9], $0x800  }
0x80: {  	[tilespmem:s19], [sflag:$0x1] =	stream.indirect.gather [hbm4b:s0+s18], $0x80, s4, s18, $0xb8;
	[tilespmem:$0x1E400] =	vst v63  }
0x81: {  	p0 =	sne.s32 s14, $0x17800;
	_ =	swait.ge [sflag:s30], $0x4000  }
0x82: {  	[sflag:s30] =	ssyncset.done $0x0  }
0x83: {  	[sflag:s30] =	ssyncadd.s32 $0xFFFFC000  }
0x84: {  	_ =	swait.ge [sflag:s24], $0x800  }
0x85: {  	[sflag:s24] =	ssyncset.done $0x0  }
0x86: {  	[sflag:s24] =	ssyncadd.s32 $0xFFFFF800  }
0x87: {  	[spmem:s8] =	stream.linear.scatter [tilespmem:s22], [sflag:$0x6], $0x4000, $0x38;
	[tilespmem:$0x1E400] =	vst v63  }
0x88: {  	_ =	swait.ge [sflag:s31], $0x4000  }
0x89: {  	[sflag:s31] =	ssyncset.done $0x0  }
0x8a: {  	s4 =	sadd.s32 $0x480, s13;
	[sflag:s31] =	ssyncadd.s32 $0xFFFFC000  }
0x8b: {  	[tilespmem:s20], [sflag:$0x2] =	stream.indirect.gather [hbm4b:s0+s18], $0x80, s4, s18, $0xb8;
	[tilespmem:$0x1E400] =	vst v63  }
0x8c: {  	_ =	swait.ge [sflag:s1], $0x4000  }
0x8d: {  	[sflag:s1] =	ssyncset.done $0x0  }
0x8e: {  	s4 =	sadd.s32 $0x800, s12;
	[sflag:s1] =	ssyncadd.s32 $0xFFFFC000  }
0x8f: {  	[hbm4b:s4+s3] =	stream.linear.scatter [tilespmem:s25], [sflag:$0xA], $0x4000, $0x38;
	[tilespmem:$0x1E400] =	vst v63  }
0x90: {  	_ =	swait.ge [sflag:s21], $0x4000  }
0x91: {  	[sflag:s21] =	ssyncset.done $0x0  }
0x92: {  	s4 =	sadd.s32 $0x500, s13;
	[sflag:s21] =	ssyncadd.s32 $0xFFFFC000  }
0x93: {  	[hbm:s12], [sflag:s10] =	dma.local [spmem:s11], $0x800  }
0x94: {  	[tilespmem:s22], [sflag:$0x3] =	stream.indirect.gather [hbm4b:s0+s18], $0x80, s4, s18, $0xb8;
	[tilespmem:$0x1E400] =	vst v63  }
0x95: {  	_ =	swait.ge [sflag:s23], $0x4000  }
0x96: {  	[sflag:s23] =	ssyncset.done $0x0  }
0x97: {  	[sflag:s23] =	ssyncadd.s32 $0xFFFFC000  }
0x98: {  	_ =	swait.ge [sflag:s29], $0x800  }
0x99: {  	[sflag:s29] =	ssyncset.done $0x0  }
0x9a: {  	[sflag:s29] =	ssyncadd.s32 $0xFFFFF800  }
0x9b: {  	[spmem:s5] =	stream.linear.scatter [tilespmem:s19], [sflag:$0x5], $0x4000, $0x38;
	[tilespmem:$0x1E400] =	vst v63  }
0x9c: {  	_ =	swait.ge [sflag:s2], $0x4000  }
0x9d: {  	[sflag:s2] =	ssyncset.done $0x0  }
0x9e: {  	s4 =	sadd.s32 $0x580, s13;
	[sflag:s2] =	ssyncadd.s32 $0xFFFFC000  }
0x9f: {  	[tilespmem:s25], [sflag:$0x4] =	stream.indirect.gather [hbm4b:s0+s18], $0x80, s4, s18, $0xb8;
	[tilespmem:$0x1E400] =	vst v63  }
0xa0: {  	_ =	swait.ge [sflag:s26], $0x4000  }
.Ltmp0:
0xa1: {  	[sflag:s26] =	ssyncset.done $0x0;
	(pc) =	sbr.rel @p0 .LBB2_2-.Ltmp0, $4  }
0xa2: {  	s4 =	sadd.s32 $0x1800, s12;
	[sflag:s26] =	ssyncadd.s32 $0xFFFFC000  }
0xa3: {  	[hbm4b:s4+s3] =	stream.linear.scatter [tilespmem:s20], [sflag:$0x9], $0x4000, $0x38;
	[tilespmem:$0x1E400] =	vst v63  }
0xa4: {  	s16 =	sadd.s32 $0x1000, s6;
	s12 =	sadd.s32 $0x2000, s12;
	_ =	swait.ge [sflag:s28], $0x4000  }
0xa5: {  	s14 =	smov.u32 s17;
	s13 =	sshra.s32 s15, $0x2;
	[sflag:s28] =	ssyncset.done $0x0  }
0xa6: {  	[sflag:s28] =	ssyncadd.s32 $0xFFFFC000;
	s4 =	sadd.s32 $0x400, s13  }
0xa7: {  	[hbm:s16], [sflag:s7] =	dma.local [spmem:s9], $0x800  }
0xa8: {  	[tilespmem:s19], [sflag:$0x1] =	stream.indirect.gather [hbm4b:s0+s18], $0x80, s4, s18, $0xb8;
	[tilespmem:$0x1E400] =	vst v63  }
0xa9: {  	_ =	swait.ge [sflag:s30], $0x4000  }
0xaa: {  	[sflag:s30] =	ssyncset.done $0x0  }
0xab: {  	[sflag:s30] =	ssyncadd.s32 $0xFFFFC000  }
0xac: {  	_ =	swait.ge [sflag:s24], $0x800  }
0xad: {  	[sflag:s24] =	ssyncset.done $0x0  }
0xae: {  	[sflag:s24] =	ssyncadd.s32 $0xFFFFF800  }
0xaf: {  	[spmem:s8] =	stream.linear.scatter [tilespmem:s22], [sflag:$0x6], $0x4000, $0x38;
	[tilespmem:$0x1E400] =	vst v63  }
0xb0: {  	_ =	swait.ge [sflag:s31], $0x4000  }
0xb1: {  	[sflag:s31] =	ssyncset.done $0x0  }
0xb2: {  	s15 =	sadd.s32 $0x480, s13;
	[sflag:s31] =	ssyncadd.s32 $0xFFFFC000  }
0xb3: {  	[tilespmem:s20], [sflag:$0x2] =	stream.indirect.gather [hbm4b:s0+s18], $0x80, s15, s18, $0xb8;
	[tilespmem:$0x1E400] =	vst v63  }
0xb4: {  	_ =	swait.ge [sflag:s1], $0x4000  }
0xb5: {  	[sflag:s1] =	ssyncset.done $0x0  }
0xb6: {  	s16 =	sadd.s32 $0x800, s12;
	[sflag:s1] =	ssyncadd.s32 $0xFFFFC000  }
0xb7: {  	[hbm4b:s16+s3] =	stream.linear.scatter [tilespmem:s25], [sflag:$0xA], $0x4000, $0x38;
	[tilespmem:$0x1E400] =	vst v63  }
0xb8: {  	_ =	swait.ge [sflag:s21], $0x4000  }
0xb9: {  	[sflag:s21] =	ssyncset.done $0x0  }
0xba: {  	s17 =	sadd.s32 $0x500, s13;
	[sflag:s21] =	ssyncadd.s32 $0xFFFFC000  }
0xbb: {  	[hbm:s12], [sflag:s10] =	dma.local [spmem:s11], $0x800  }
0xbc: {  	[tilespmem:s22], [sflag:$0x3] =	stream.indirect.gather [hbm4b:s0+s18], $0x80, s17, s18, $0xb8;
	[tilespmem:$0x1E400] =	vst v63  }
0xbd: {  	_ =	swait.ge [sflag:s23], $0x4000  }
0xbe: {  	[sflag:s23] =	ssyncset.done $0x0  }
0xbf: {  	[sflag:s23] =	ssyncadd.s32 $0xFFFFC000  }
0xc0: {  	_ =	swait.ge [sflag:s29], $0x800  }
0xc1: {  	[sflag:s29] =	ssyncset.done $0x0  }
0xc2: {  	[sflag:s29] =	ssyncadd.s32 $0xFFFFF800  }
0xc3: {  	[spmem:s5] =	stream.linear.scatter [tilespmem:s19], [sflag:$0x5], $0x4000, $0x38;
	[tilespmem:$0x1E400] =	vst v63  }
0xc4: {  	_ =	swait.ge [sflag:s2], $0x4000  }
0xc5: {  	[sflag:s2] =	ssyncset.done $0x0  }
0xc6: {  	s6 =	sadd.s32 $0x580, s13;
	[sflag:s2] =	ssyncadd.s32 $0xFFFFC000  }
0xc7: {  	[tilespmem:s25], [sflag:$0x4] =	stream.indirect.gather [hbm4b:s0+s18], $0x80, s6, s18, $0xb8;
	[tilespmem:$0x1E400] =	vst v63  }
0xc8: {  	_ =	swait.ge [sflag:s26], $0x4000  }
0xc9: {  	[sflag:s26] =	ssyncset.done $0x0  }
0xca: {  	s13 =	sadd.s32 $0x1800, s12;
	[sflag:s26] =	ssyncadd.s32 $0xFFFFC000  }
0xcb: {  	[hbm4b:s13+s3] =	stream.linear.scatter [tilespmem:s20], [sflag:$0x9], $0x4000, $0x38;
	[tilespmem:$0x1E400] =	vst v63  }
0xcc: {  	_ =	swait.ge [sflag:s28], $0x4000  }
0xcd: {  	[sflag:s28] =	ssyncset.done $0x0  }
0xce: {  	s14 =	sadd.s32 $0x1000, s12;
	[sflag:s28] =	ssyncadd.s32 $0xFFFFC000  }
0xcf: {  	[hbm:s14], [sflag:s7] =	dma.local [spmem:s9], $0x800  }
0xd0: {  	_ =	swait.ge [sflag:s30], $0x4000  }
0xd1: {  	[sflag:s30] =	ssyncset.done $0x0  }
0xd2: {  	[sflag:s30] =	ssyncadd.s32 $0xFFFFC000  }
0xd3: {  	_ =	swait.ge [sflag:s24], $0x800  }
0xd4: {  	[sflag:s24] =	ssyncset.done $0x0  }
0xd5: {  	[sflag:s24] =	ssyncadd.s32 $0xFFFFF800  }
0xd6: {  	[spmem:s8] =	stream.linear.scatter [tilespmem:s22], [sflag:$0x6], $0x4000, $0x38;
	[tilespmem:$0x1E400] =	vst v63  }
0xd7: {  	_ =	swait.ge [sflag:s1], $0x4000  }
0xd8: {  	[sflag:s1] =	ssyncset.done $0x0  }
0xd9: {  	s15 =	rddreg [dreg:$0xc];
	[sflag:s1] =	ssyncadd.s32 $0xFFFFC000  }
0xda: {  	[hbm4b:s15+s3] =	stream.linear.scatter [tilespmem:s25], [sflag:$0xA], $0x4000, $0x38;
	[tilespmem:$0x1E400] =	vst v63  }
0xdb: {  	_ =	swait.ge [sflag:s21], $0x4000  }
0xdc: {  	[sflag:s21] =	ssyncset.done $0x0  }
0xdd: {  	s16 =	rddreg [dreg:$0xd];
	[sflag:s21] =	ssyncadd.s32 $0xFFFFC000  }
0xde: {  	[hbm:s16], [sflag:s10] =	dma.local [spmem:s11], $0x800  }
0xdf: {  	_ =	swait.ge [sflag:s31], $0x4000  }
0xe0: {  	[sflag:s31] =	ssyncset.done $0x0  }
0xe1: {  	[sflag:s31] =	ssyncadd.s32 $0xFFFFC000  }
0xe2: {  	_ =	swait.ge [sflag:s2], $0x4000  }
0xe3: {  	[sflag:s2] =	ssyncset.done $0x0  }
0xe4: {  	[sflag:s2] =	ssyncadd.s32 $0xFFFFC000  }
0xe5: {  	_ =	swait.ge [sflag:s29], $0x800  }
0xe6: {  	[sflag:s29] =	ssyncset.done $0x0  }
0xe7: {  	[sflag:s29] =	ssyncadd.s32 $0xFFFFF800  }
0xe8: {  	_ =	swait.ge [sflag:s24], $0x800  }
0xe9: {  	s6 =	rddreg [dreg:$0x10]  }
0xea: {  	s17 =	rddreg [dreg:$0xe];
	s6 =	sadd.s32 $0x1, s6  }
0xeb: {  	p0 =	sne.s32 s6, s17  }
.Ltmp1:
0xec: {  	_ = 	snop;
	(pc) =	sbr.rel @p0 .LBB2_1-.Ltmp1, $3  }
0xed: {  	_ =	sdelay $0x1  }
0xee: {  	[sflag:s24] =	ssyncset.done $0x0  }
0xef: {  	[sflag:s24] =	ssyncadd.s32 $0xFFFFF800  }
0xf0: {  	_ =	sfence.sel $0x180000  }
0xf1: {  	[bflag:$0x0] =	sbarrier.arrive $0xFFFF  }
0xf2: {  	_ =	strace $0x90000047  }
0xf3: {  	s0 =	stileid.u32;
	[bflag:$0x2] =	sbarrier.arrive $0xFFFF  }
0xf4: {  	p0 =	sne.s32 s0, $0x0;
	s0 =	rddreg [dreg:$0x4]  }
0xf5: {  	s0 =	sadd.s32 @!p0 $0x100000, s0  }
0xf6: {  	[sflag:s0] =	ssyncadd.tile.s32 @!p0 $0x1;
	_ =	shalt  }
.Lfunc_end2:
_tile_overlayer_lowered:
.L_overlay_start_2:
0xf7: {  	(tag) =	ssettag $0x2  }
0xf8: {  	s0 =	rddreg [dreg:$0x0];
	s2 =	stileid.u32  }
0xf9: {  	s1 =	rddreg [dreg:$0x1];
	p0 =	sne.s32 s2, $0x0  }
0xfa: {  	s3 =	rddreg [dreg:$0x2];
	[bflag:$0x3] =	sbarrier.arrive $0xFFFF;
	s2 =	simm.s32 @!p0 $0x1C0B  }
0xfb: {  	[timem:s3], [sflag:s2] =	dma.local @!p0 [hbm:s0], s1  }
0xfc: {  	s0 =	simm.s32 @!p0 $0xB  }
0xfd: {  	_ =	swait.ge @!p0 [sflag:s0], s1  }
0xfe: {  	s1 =	ssub.s32 @!p0 $0x0, s1;
	[sflag:s0] =	ssyncset.done @!p0 $0x0  }
0xff: {  	[sflag:s0] =	ssyncadd.s32 @!p0 s1  }
0x100: {  	[bflag:$0x3] =	sbarrier.arrive $0xFFFF  }
0x101: {  	_ =	shalt  }

</sc_bundles>
